<compile_context>
chip_gen: v7x
topology: tpu7x:2x2x1
jax: 0.10.2.dev20260603
libtpu: 0.0.44.dev20260713+nightly
codegen_flags: <defaults>
</compile_context>

<pallas_src>
import functools

import jax
import jax.numpy as jnp
from jax import lax
from jax.experimental import pallas as pl
from jax.experimental.pallas import tpu as pltpu
from jax.experimental.pallas import tpu_sc as plsc

BATCH = 4096
SEQ = 200
DIM = 64
PDIM = 128
VOCAB2 = 2 * 1000000

NC = 2
NS = 16
NW = NC * NS
ROWS_PER_W = BATCH // NW
IDX_PER_W = ROWS_PER_W * SEQ
SUB = 128
SUBS_PER_CHUNK = 2
CHUNK = SUB * SUBS_PER_CHUNK
N_CHUNKS = IDX_PER_W // CHUNK
IDX_ROWS_PER_W = IDX_PER_W // SUB


def _sc_pool(ids2, dest, zeros, table2):
    mesh = plsc.VectorSubcoreMesh(core_axis_name="c", subcore_axis_name="s")

    @functools.partial(
        pl.kernel,
        mesh=mesh,
        out_type=jax.ShapeDtypeStruct((BATCH, DIM), jnp.float32),
        compiler_params=pltpu.CompilerParams(use_tc_tiling_on_sc=False,
                                             needs_layout_passes=False),
        scratch_types=[
            pltpu.VMEM((IDX_ROWS_PER_W, SUB), jnp.int32),
            pltpu.VMEM((IDX_ROWS_PER_W + 1, SUB), jnp.int32),
            pltpu.VMEM((CHUNK, DIM), jnp.float32),
            pltpu.VMEM((CHUNK, DIM), jnp.float32),
            pltpu.VMEM((SUB, DIM), jnp.float32),
            pltpu.VMEM_SHARED((NS * ROWS_PER_W, DIM), jnp.float32),
            pltpu.SemaphoreType.DMA,
            pltpu.SemaphoreType.DMA,
            pltpu.SemaphoreType.DMA,
        ],
    )
    def k(ids_hbm, dest_hbm, zeros_hbm, table_hbm, out_hbm,
          idx_all, dest_all, rows0, rows1, zbuf, acc, gsem0, gsem1, ssem):
        cid = lax.axis_index("c")
        sid = lax.axis_index("s")
        wid = cid * NS + sid
        idx_base = wid * IDX_ROWS_PER_W

        pltpu.sync_copy(ids_hbm.at[pl.ds(idx_base, IDX_ROWS_PER_W)], idx_all)
        pltpu.sync_copy(dest_hbm, dest_all)
        pltpu.sync_copy(zeros_hbm, zbuf)
        off = (sid * ROWS_PER_W).astype(jnp.int32)

        def add_off(r, carry):
            for c4 in range(SUB // 16):
                sl = pl.ds(c4 * 16, 16)
                dest_all[r, sl] = dest_all[r, sl] + off
            return carry

        lax.fori_loop(0, IDX_ROWS_PER_W + 1, add_off, 0)

        pltpu.async_copy(zbuf, acc.at[dest_all.at[IDX_ROWS_PER_W]],
                         ssem).wait()

        def start_gather(c, buf, sem):
            for s in range(SUBS_PER_CHUNK):
                pltpu.async_copy(
                    table_hbm.at[idx_all.at[c * SUBS_PER_CHUNK + s]],
                    buf.at[pl.ds(s * SUB, SUB)],
                    sem,
                )

        def wait_gather(buf, sem):
            for s in range(SUBS_PER_CHUNK):
                pltpu.make_async_copy(
                    table_hbm.at[idx_all.at[s]],
                    buf.at[pl.ds(s * SUB, SUB)],
                    sem,
                ).wait()

        def scatter_chunk(c, buf):
            handles = []
            for s in range(SUBS_PER_CHUNK):
                handles.append(pltpu.async_copy(
                    buf.at[pl.ds(s * SUB, SUB)],
                    acc.at[dest_all.at[c * SUBS_PER_CHUNK + s]],
                    ssem,
                    add=True,
                ))
            for h in handles:
                h.wait()

        def process(c, buf, sem, nxt_buf, nxt_sem):
            @pl.when(c + 1 < N_CHUNKS)
            def _():
                start_gather(c + 1, nxt_buf, nxt_sem)
            wait_gather(buf, sem)
            scatter_chunk(c, buf)

        start_gather(0, rows0, gsem0)

        def body(i, carry):
            c = i * 2
            process(c, rows0, gsem0, rows1, gsem1)
            process(c + 1, rows1, gsem1, rows0, gsem0)
            return carry

        lax.fori_loop(0, N_CHUNKS // 2, body, 0)

        pltpu.async_copy(zbuf, acc.at[dest_all.at[IDX_ROWS_PER_W]],
                         ssem, add=True).wait()
        pltpu.async_copy(
            acc.at[dest_all.at[IDX_ROWS_PER_W]],
            rows0.at[pl.ds(0, SUB)],
            gsem0,
        ).wait()

        def norm_row(r, carry):
            ss = jnp.zeros((16,), jnp.float32)
            for c4 in range(DIM // 16):
                x = rows0[r, pl.ds(c4 * 16, 16)]
                ss = ss + x * x
            s = jnp.sum(ss)
            s = jnp.maximum(s, jnp.float32((SEQ * 1e-12) ** 2))
            i = jax.lax.bitcast_convert_type(s, jnp.int32)
            i = jnp.int32(0x5F3759DF) - lax.shift_right_logical(i, 1)
            y = jax.lax.bitcast_convert_type(i, jnp.float32)
            for _ in range(3):
                y = y * (jnp.float32(1.5) - jnp.float32(0.5) * s * y * y)
            for c4 in range(DIM // 16):
                sl = pl.ds(c4 * 16, 16)
                rows0[r, sl] = rows0[r, sl] * y
            return carry

        lax.fori_loop(0, ROWS_PER_W, norm_row, 0)

        pltpu.sync_copy(rows0.at[pl.ds(0, ROWS_PER_W)],
                        out_hbm.at[pl.ds(wid * ROWS_PER_W, ROWS_PER_W)])

    return k(ids2, dest, zeros, table2)


def kernel(input_ids, table):
    table2 = jnp.pad(table, ((0, 0), (0, PDIM - DIM))).reshape(VOCAB2, DIM)
    ids2 = (input_ids.astype(jnp.int32) * 2).reshape(-1, SUB)
    base = (jnp.arange(IDX_PER_W, dtype=jnp.int32) // SEQ).reshape(
        IDX_ROWS_PER_W, SUB)
    ident = jnp.arange(SUB, dtype=jnp.int32)[None, :]
    dest = jnp.concatenate([base, ident], axis=0)
    zeros = jnp.zeros((SUB, DIM), jnp.float32)
    return _sc_pool(ids2, dest, zeros, table2)

# --- scband reference (transcript-rebuilt; emitter-appended) ---
"""Pipeline reference for scband-simple-embedding-1881195676174 (READ-ONLY COPY).

The authoritative reference and input builder live on the scoring server;
editing this copy changes nothing except your own understanding.
"""

import jax, jax.numpy as jnp
import numpy as np

VOCAB = 1000000
EMBED_DIM = 64
BATCH = 4096
SEQ_LEN = 200


def setup_inputs(seed: int = 0) -> dict:
    key = jax.random.key(seed)
    k_idx, k_tab = jax.random.split(key)
    input_ids = jax.random.randint(k_idx, (BATCH, SEQ_LEN), 0, VOCAB, dtype=jnp.int64 if jax.config.read('jax_enable_x64') else jnp.int32)
    table = jax.random.normal(k_tab, (VOCAB, EMBED_DIM), dtype=jnp.float32)
    return {"input_ids": input_ids, "table": table}


def reference(input_ids, table):
    # nn.Embedding lookup -> gather
    embeds = jnp.take(table, input_ids, axis=0)  # [B, L, D]
    # transpose(1,2) + AdaptiveAvgPool1d(1) + squeeze == mean over seq dim
    pooled = jnp.mean(embeds, axis=1)  # [B, D]
    # F.normalize(p=2, dim=1) with eps=1e-12
    norm = jnp.linalg.norm(pooled, ord=2, axis=1, keepdims=True)
    out = pooled / jnp.maximum(norm, 1e-12)
    return out

if __name__ == "__main__":
    import jax
    _d = setup_inputs()
    print(jax.jit(kernel)(*tuple(_d.values())))

</pallas_src>

<mosaic_0001>
#map = affine_map<(d0, d1) -> (0, 0)>
module attributes {stable_mosaic.version = 14 : i64} {
  func.func @k(%arg0: i32, %arg1: i32, %arg2: memref<6400x128xi32, #tpu.memory_space<hbm>>, %arg3: memref<201x128xi32, #tpu.memory_space<hbm>>, %arg4: memref<128x64xf32, #tpu.memory_space<hbm>>, %arg5: memref<2000000x64xf32, #tpu.memory_space<hbm>>, %arg6: memref<4096x64xf32, #tpu.memory_space<hbm>>, %arg7: memref<200x128xi32, #tpu.memory_space<vmem>>, %arg8: memref<201x128xi32, #tpu.memory_space<vmem>>, %arg9: memref<256x64xf32, #tpu.memory_space<vmem>>, %arg10: memref<256x64xf32, #tpu.memory_space<vmem>>, %arg11: memref<128x64xf32, #tpu.memory_space<vmem>>, %arg12: memref<2048x64xf32, #tpu.memory_space<vmem_shared>>, %arg13: memref<!tpu.dma_semaphore, #tpu.memory_space<semaphore_mem>>, %arg14: memref<!tpu.dma_semaphore, #tpu.memory_space<semaphore_mem>>, %arg15: memref<!tpu.dma_semaphore, #tpu.memory_space<semaphore_mem>>) attributes {dimension_semantics = [#tpu.dimension_semantics<core_parallel>, #tpu.dimension_semantics<subcore_parallel>], iteration_bounds = array<i64: 2, 16>, scalar_prefetch = 0 : i64, scratch_operands = 9 : i64, tpu.core_type = #tpu.core_type<sc_vector_subcore>, window_params = [{transform_indices = #map}, {transform_indices = #map}, {transform_indices = #map}, {transform_indices = #map}, {transform_indices = #map}]} {
    %mul3A = arith.constant 16 : i32
    %mul3A_0 = arith.muli %arg0, %mul3A : i32
    %add3A = arith.addi %mul3A_0, %arg1 : i32
    %mul3A_1 = arith.constant 200 : i32
    %mul3A_2 = arith.muli %add3A, %mul3A_1 : i32
    "tpu.region"() ({
      %run_scoped3A = tpu.sem_alloc : memref<!tpu.dma_semaphore, #tpu.memory_space<semaphore_mem>>
      %dma_start3A_90 = arith.constant 0 : i32
      %dma_start3A_91 = tpu.memref_slice %arg2[%mul3A_2, %dma_start3A_90] : memref<6400x128xi32, #tpu.memory_space<hbm>> -> memref<200x128xi32, #tpu.memory_space<hbm>>
      %dma_start3A_92 = arith.constant 0 : i32
      %dma_start3A_93 = tpu.memref_slice %arg2[%mul3A_2, %dma_start3A_92] : memref<6400x128xi32, #tpu.memory_space<hbm>> -> memref<200x128xi32, #tpu.memory_space<hbm>>
      tpu.enqueue_dma source(%dma_start3A_93 : memref<200x128xi32, #tpu.memory_space<hbm>>) target(%arg7 : memref<200x128xi32, #tpu.memory_space<vmem>>) target_semaphore(%run_scoped3A : memref<!tpu.dma_semaphore, #tpu.memory_space<semaphore_mem>>)
      %dma_wait3A_94 = arith.constant 0 : i32
      %dma_wait3A_95 = tpu.memref_slice %arg2[%mul3A_2, %dma_wait3A_94] : memref<6400x128xi32, #tpu.memory_space<hbm>> -> memref<200x128xi32, #tpu.memory_space<hbm>>
      %dma_wait3A_96 = arith.constant 0 : i32
      %dma_wait3A_97 = tpu.memref_slice %arg2[%mul3A_2, %dma_wait3A_96] : memref<6400x128xi32, #tpu.memory_space<hbm>> -> memref<200x128xi32, #tpu.memory_space<hbm>>
      tpu.wait_dma2 semaphore(%run_scoped3A : memref<!tpu.dma_semaphore, #tpu.memory_space<semaphore_mem>>) src(%dma_wait3A_97 : memref<200x128xi32, #tpu.memory_space<hbm>>) dst(%arg7 : memref<200x128xi32, #tpu.memory_space<vmem>>)
      tpu.yield
    }) : () -> ()
    "tpu.region"() ({
      %run_scoped3A = tpu.sem_alloc : memref<!tpu.dma_semaphore, #tpu.memory_space<semaphore_mem>>
      tpu.enqueue_dma source(%arg3 : memref<201x128xi32, #tpu.memory_space<hbm>>) target(%arg8 : memref<201x128xi32, #tpu.memory_space<vmem>>) target_semaphore(%run_scoped3A : memref<!tpu.dma_semaphore, #tpu.memory_space<semaphore_mem>>)
      tpu.wait_dma2 semaphore(%run_scoped3A : memref<!tpu.dma_semaphore, #tpu.memory_space<semaphore_mem>>) src(%arg3 : memref<201x128xi32, #tpu.memory_space<hbm>>) dst(%arg8 : memref<201x128xi32, #tpu.memory_space<vmem>>)
      tpu.yield
    }) : () -> ()
    "tpu.region"() ({
      %run_scoped3A = tpu.sem_alloc : memref<!tpu.dma_semaphore, #tpu.memory_space<semaphore_mem>>
      tpu.enqueue_dma source(%arg4 : memref<128x64xf32, #tpu.memory_space<hbm>>) target(%arg11 : memref<128x64xf32, #tpu.memory_space<vmem>>) target_semaphore(%run_scoped3A : memref<!tpu.dma_semaphore, #tpu.memory_space<semaphore_mem>>)
      tpu.wait_dma2 semaphore(%run_scoped3A : memref<!tpu.dma_semaphore, #tpu.memory_space<semaphore_mem>>) src(%arg4 : memref<128x64xf32, #tpu.memory_space<hbm>>) dst(%arg11 : memref<128x64xf32, #tpu.memory_space<vmem>>)
      tpu.yield
    }) : () -> ()
    %mul3A_3 = arith.constant 128 : i32
    %mul3A_4 = arith.muli %arg1, %mul3A_3 : i32
    %scan3A = arith.constant 0 : i32
    %scan3A_5 = arith.constant 0 : i32
    %scan3A_6 = arith.constant 201 : i32
    %scan3A_7 = arith.addi %scan3A_5, %scan3A_6 : i32
    %scan3A_8 = arith.constant 1 : i32
    scf.for %scan3A_90 = %scan3A_5 to %scan3A_7 step %scan3A_8  : i32 {
      %get3A = arith.index_cast %scan3A_90 : i32 to index
      %get3A_91 = arith.constant 0 : index
      %get3A_92 = tpu.vector_load %arg8[%get3A, %get3A_91] {strides = array<i32>} : memref<201x128xi32, #tpu.memory_space<vmem>>, vector<16xi32>,
      %add3A_93 = vector.broadcast %mul3A_4 : i32 to vector<16xi32>
      %add3A_94 = arith.addi %get3A_92, %add3A_93 : vector<16xi32>
      %swap3A = arith.index_cast %scan3A_90 : i32 to index
      %swap3A_95 = arith.constant 0 : index
      %swap3A_96 = tpu.vector_load %arg8[%swap3A, %swap3A_95] {strides = array<i32>} : memref<201x128xi32, #tpu.memory_space<vmem>>, vector<16xi32>,
      tpu.vector_store %arg8[%swap3A, %swap3A_95], %add3A_94 {strides = array<i32>} : memref<201x128xi32, #tpu.memory_space<vmem>>, vector<16xi32>,
      %get3A_97 = arith.index_cast %scan3A_90 : i32 to index
      %get3A_98 = arith.constant 16 : index
      %get3A_99 = tpu.vector_load %arg8[%get3A_97, %get3A_98] {strides = array<i32>} : memref<201x128xi32, #tpu.memory_space<vmem>>, vector<16xi32>,
      %add3A_100 = vector.broadcast %mul3A_4 : i32 to vector<16xi32>
      %add3A_101 = arith.addi %get3A_99, %add3A_100 : vector<16xi32>
      %swap3A_102 = arith.index_cast %scan3A_90 : i32 to index
      %swap3A_103 = arith.constant 16 : index
      %swap3A_104 = tpu.vector_load %arg8[%swap3A_102, %swap3A_103] {strides = array<i32>} : memref<201x128xi32, #tpu.memory_space<vmem>>, vector<16xi32>,
      tpu.vector_store %arg8[%swap3A_102, %swap3A_103], %add3A_101 {strides = array<i32>} : memref<201x128xi32, #tpu.memory_space<vmem>>, vector<16xi32>,
      %get3A_105 = arith.index_cast %scan3A_90 : i32 to index
      %get3A_106 = arith.constant 32 : index
      %get3A_107 = tpu.vector_load %arg8[%get3A_105, %get3A_106] {strides = array<i32>} : memref<201x128xi32, #tpu.memory_space<vmem>>, vector<16xi32>,
      %add3A_108 = vector.broadcast %mul3A_4 : i32 to vector<16xi32>
      %add3A_109 = arith.addi %get3A_107, %add3A_108 : vector<16xi32>
      %swap3A_110 = arith.index_cast %scan3A_90 : i32 to index
      %swap3A_111 = arith.constant 32 : index
      %swap3A_112 = tpu.vector_load %arg8[%swap3A_110, %swap3A_111] {strides = array<i32>} : memref<201x128xi32, #tpu.memory_space<vmem>>, vector<16xi32>,
      tpu.vector_store %arg8[%swap3A_110, %swap3A_111], %add3A_109 {strides = array<i32>} : memref<201x128xi32, #tpu.memory_space<vmem>>, vector<16xi32>,
      %get3A_113 = arith.index_cast %scan3A_90 : i32 to index
      %get3A_114 = arith.constant 48 : index
      %get3A_115 = tpu.vector_load %arg8[%get3A_113, %get3A_114] {strides = array<i32>} : memref<201x128xi32, #tpu.memory_space<vmem>>, vector<16xi32>,
      %add3A_116 = vector.broadcast %mul3A_4 : i32 to vector<16xi32>
      %add3A_117 = arith.addi %get3A_115, %add3A_116 : vector<16xi32>
      %swap3A_118 = arith.index_cast %scan3A_90 : i32 to index
      %swap3A_119 = arith.constant 48 : index
      %swap3A_120 = tpu.vector_load %arg8[%swap3A_118, %swap3A_119] {strides = array<i32>} : memref<201x128xi32, #tpu.memory_space<vmem>>, vector<16xi32>,
      tpu.vector_store %arg8[%swap3A_118, %swap3A_119], %add3A_117 {strides = array<i32>} : memref<201x128xi32, #tpu.memory_space<vmem>>, vector<16xi32>,
      %get3A_121 = arith.index_cast %scan3A_90 : i32 to index
      %get3A_122 = arith.constant 64 : index
      %get3A_123 = tpu.vector_load %arg8[%get3A_121, %get3A_122] {strides = array<i32>} : memref<201x128xi32, #tpu.memory_space<vmem>>, vector<16xi32>,
      %add3A_124 = vector.broadcast %mul3A_4 : i32 to vector<16xi32>
      %add3A_125 = arith.addi %get3A_123, %add3A_124 : vector<16xi32>
      %swap3A_126 = arith.index_cast %scan3A_90 : i32 to index
      %swap3A_127 = arith.constant 64 : index
      %swap3A_128 = tpu.vector_load %arg8[%swap3A_126, %swap3A_127] {strides = array<i32>} : memref<201x128xi32, #tpu.memory_space<vmem>>, vector<16xi32>,
      tpu.vector_store %arg8[%swap3A_126, %swap3A_127], %add3A_125 {strides = array<i32>} : memref<201x128xi32, #tpu.memory_space<vmem>>, vector<16xi32>,
      %get3A_129 = arith.index_cast %scan3A_90 : i32 to index
      %get3A_130 = arith.constant 80 : index
      %get3A_131 = tpu.vector_load %arg8[%get3A_129, %get3A_130] {strides = array<i32>} : memref<201x128xi32, #tpu.memory_space<vmem>>, vector<16xi32>,
      %add3A_132 = vector.broadcast %mul3A_4 : i32 to vector<16xi32>
      %add3A_133 = arith.addi %get3A_131, %add3A_132 : vector<16xi32>
      %swap3A_134 = arith.index_cast %scan3A_90 : i32 to index
      %swap3A_135 = arith.constant 80 : index
      %swap3A_136 = tpu.vector_load %arg8[%swap3A_134, %swap3A_135] {strides = array<i32>} : memref<201x128xi32, #tpu.memory_space<vmem>>, vector<16xi32>,
      tpu.vector_store %arg8[%swap3A_134, %swap3A_135], %add3A_133 {strides = array<i32>} : memref<201x128xi32, #tpu.memory_space<vmem>>, vector<16xi32>,
      %get3A_137 = arith.index_cast %scan3A_90 : i32 to index
      %get3A_138 = arith.constant 96 : index
      %get3A_139 = tpu.vector_load %arg8[%get3A_137, %get3A_138] {strides = array<i32>} : memref<201x128xi32, #tpu.memory_space<vmem>>, vector<16xi32>,
      %add3A_140 = vector.broadcast %mul3A_4 : i32 to vector<16xi32>
      %add3A_141 = arith.addi %get3A_139, %add3A_140 : vector<16xi32>
      %swap3A_142 = arith.index_cast %scan3A_90 : i32 to index
      %swap3A_143 = arith.constant 96 : index
      %swap3A_144 = tpu.vector_load %arg8[%swap3A_142, %swap3A_143] {strides = array<i32>} : memref<201x128xi32, #tpu.memory_space<vmem>>, vector<16xi32>,
      tpu.vector_store %arg8[%swap3A_142, %swap3A_143], %add3A_141 {strides = array<i32>} : memref<201x128xi32, #tpu.memory_space<vmem>>, vector<16xi32>,
      %get3A_145 = arith.index_cast %scan3A_90 : i32 to index
      %get3A_146 = arith.constant 112 : index
      %get3A_147 = tpu.vector_load %arg8[%get3A_145, %get3A_146] {strides = array<i32>} : memref<201x128xi32, #tpu.memory_space<vmem>>, vector<16xi32>,
      %add3A_148 = vector.broadcast %mul3A_4 : i32 to vector<16xi32>
      %add3A_149 = arith.addi %get3A_147, %add3A_148 : vector<16xi32>
      %swap3A_150 = arith.index_cast %scan3A_90 : i32 to index
      %swap3A_151 = arith.constant 112 : index
      %swap3A_152 = tpu.vector_load %arg8[%swap3A_150, %swap3A_151] {strides = array<i32>} : memref<201x128xi32, #tpu.memory_space<vmem>>, vector<16xi32>,
      tpu.vector_store %arg8[%swap3A_150, %swap3A_151], %add3A_149 {strides = array<i32>} : memref<201x128xi32, #tpu.memory_space<vmem>>, vector<16xi32>,
    }
    %scan3A_9 = arith.constant 201 : i32
    %dma_start3A = arith.constant 200 : i32
    %dma_start3A_10 = arith.constant 0 : i32
    %dma_start3A_11 = tpu.memref_slice %arg8[%dma_start3A, %dma_start3A_10] : memref<201x128xi32, #tpu.memory_space<vmem>> -> memref<1x128xi32, #tpu.memory_space<vmem>>
    %dma_start3A_12 = tpu.memref_squeeze %dma_start3A_11 : memref<1x128xi32, #tpu.memory_space<vmem>> -> memref<128xi32, #tpu.memory_space<vmem>>
    %dma_start3A_13 = arith.constant 0 : i32
    %dma_start3A_14 = arith.constant 0 : i32
    %dma_start3A_15 = tpu.memref_slice %arg12[%dma_start3A_13, %dma_start3A_14] : memref<2048x64xf32, #tpu.memory_space<vmem_shared>> -> memref<2048x64xf32, #tpu.memory_space<vmem_shared>>
    tpu.enqueue_indirect_dma source(%arg11 : memref<128x64xf32, #tpu.memory_space<vmem>>) target(%dma_start3A_15 : memref<2048x64xf32, #tpu.memory_space<vmem_shared>>) offsets(%dma_start3A_12 : memref<128xi32, #tpu.memory_space<vmem>>) semaphore(%arg15 : memref<!tpu.dma_semaphore, #tpu.memory_space<semaphore_mem>>)
    %dma_wait3A = arith.constant 200 : i32
    %dma_wait3A_16 = arith.constant 0 : i32
    %dma_wait3A_17 = tpu.memref_slice %arg8[%dma_wait3A, %dma_wait3A_16] : memref<201x128xi32, #tpu.memory_space<vmem>> -> memref<1x128xi32, #tpu.memory_space<vmem>>
    %dma_wait3A_18 = tpu.memref_squeeze %dma_wait3A_17 : memref<1x128xi32, #tpu.memory_space<vmem>> -> memref<128xi32, #tpu.memory_space<vmem>>
    %dma_wait3A_19 = arith.constant 0 : i32
    %dma_wait3A_20 = arith.constant 0 : i32
    %dma_wait3A_21 = tpu.memref_slice %arg12[%dma_wait3A_19, %dma_wait3A_20] : memref<2048x64xf32, #tpu.memory_space<vmem_shared>> -> memref<2048x64xf32, #tpu.memory_space<vmem_shared>>
    tpu.wait_indirect_dma semaphore(%arg15 : memref<!tpu.dma_semaphore, #tpu.memory_space<semaphore_mem>>) src(%arg11 : memref<128x64xf32, #tpu.memory_space<vmem>>) dst(%dma_wait3A_21 : memref<2048x64xf32, #tpu.memory_space<vmem_shared>>)
    %dma_start3A_22 = arith.constant 0 : i32
    %dma_start3A_23 = arith.constant 0 : i32
    %dma_start3A_24 = arith.constant 0 : i32
    %dma_start3A_25 = tpu.memref_slice %arg9[%dma_start3A_23, %dma_start3A_24] : memref<256x64xf32, #tpu.memory_space<vmem>> -> memref<128x64xf32, #tpu.memory_space<vmem>>
    %dma_start3A_26 = arith.constant 0 : i32
    %dma_start3A_27 = tpu.memref_slice %arg7[%dma_start3A_22, %dma_start3A_26] : memref<200x128xi32, #tpu.memory_space<vmem>> -> memref<1x128xi32, #tpu.memory_space<vmem>>
    %dma_start3A_28 = tpu.memref_squeeze %dma_start3A_27 : memref<1x128xi32, #tpu.memory_space<vmem>> -> memref<128xi32, #tpu.memory_space<vmem>>
    %dma_start3A_29 = arith.constant 0 : i32
    %dma_start3A_30 = arith.constant 0 : i32
    %dma_start3A_31 = tpu.memref_slice %arg5[%dma_start3A_29, %dma_start3A_30] : memref<2000000x64xf32, #tpu.memory_space<hbm>> -> memref<2000000x64xf32, #tpu.memory_space<hbm>>
    tpu.enqueue_indirect_dma source(%dma_start3A_31 : memref<2000000x64xf32, #tpu.memory_space<hbm>>) target(%dma_start3A_25 : memref<128x64xf32, #tpu.memory_space<vmem>>) offsets(%dma_start3A_28 : memref<128xi32, #tpu.memory_space<vmem>>) semaphore(%arg13 : memref<!tpu.dma_semaphore, #tpu.memory_space<semaphore_mem>>)
    %dma_start3A_32 = arith.constant 1 : i32
    %dma_start3A_33 = arith.constant 128 : i32
    %dma_start3A_34 = arith.constant 0 : i32
    %dma_start3A_35 = tpu.memref_slice %arg9[%dma_start3A_33, %dma_start3A_34] : memref<256x64xf32, #tpu.memory_space<vmem>> -> memref<128x64xf32, #tpu.memory_space<vmem>>
    %dma_start3A_36 = arith.constant 0 : i32
    %dma_start3A_37 = tpu.memref_slice %arg7[%dma_start3A_32, %dma_start3A_36] : memref<200x128xi32, #tpu.memory_space<vmem>> -> memref<1x128xi32, #tpu.memory_space<vmem>>
    %dma_start3A_38 = tpu.memref_squeeze %dma_start3A_37 : memref<1x128xi32, #tpu.memory_space<vmem>> -> memref<128xi32, #tpu.memory_space<vmem>>
    %dma_start3A_39 = arith.constant 0 : i32
    %dma_start3A_40 = arith.constant 0 : i32
    %dma_start3A_41 = tpu.memref_slice %arg5[%dma_start3A_39, %dma_start3A_40] : memref<2000000x64xf32, #tpu.memory_space<hbm>> -> memref<2000000x64xf32, #tpu.memory_space<hbm>>
    tpu.enqueue_indirect_dma source(%dma_start3A_41 : memref<2000000x64xf32, #tpu.memory_space<hbm>>) target(%dma_start3A_35 : memref<128x64xf32, #tpu.memory_space<vmem>>) offsets(%dma_start3A_38 : memref<128xi32, #tpu.memory_space<vmem>>) semaphore(%arg13 : memref<!tpu.dma_semaphore, #tpu.memory_space<semaphore_mem>>)
    %scan3A_42 = arith.constant 0 : i32
    %scan3A_43 = arith.constant 0 : i32
    %scan3A_44 = arith.constant 50 : i32
    %scan3A_45 = arith.addi %scan3A_43, %scan3A_44 : i32
    %scan3A_46 = arith.constant 1 : i32
    scf.for %scan3A_90 = %scan3A_43 to %scan3A_45 step %scan3A_46  : i32 {
      %mul3A_91 = arith.constant 2 : i32
      %mul3A_92 = arith.muli %scan3A_90, %mul3A_91 : i32
      %add3A_93 = arith.constant 1 : i32
      %add3A_94 = arith.addi %mul3A_92, %add3A_93 : i32
      %lt3A = arith.constant 100 : i32
      %lt3A_95 = arith.cmpi slt, %add3A_94, %lt3A : i32
      %convert_element_type3A = arith.extui %lt3A_95 : i1 to i32
      %cond3A = arith.constant 0 : i32
      %cond3A_96 = arith.cmpi ne, %convert_element_type3A, %cond3A : i32
      scf.if %cond3A_96 {
        %add3A_234 = arith.constant 1 : i32
        %add3A_235 = arith.addi %mul3A_92, %add3A_234 : i32
        %mul3A_236 = arith.constant 2 : i32
        %mul3A_237 = arith.muli %add3A_235, %mul3A_236 : i32
        %add3A_238 = arith.constant 0 : i32
        %add3A_239 = arith.addi %mul3A_237, %add3A_238 : i32
        %dma_start3A_240 = arith.constant 0 : i32
        %dma_start3A_241 = arith.constant 0 : i32
        %dma_start3A_242 = tpu.memref_slice %arg10[%dma_start3A_240, %dma_start3A_241] : memref<256x64xf32, #tpu.memory_space<vmem>> -> memref<128x64xf32, #tpu.memory_space<vmem>>
        %dma_start3A_243 = arith.constant 0 : i32
        %dma_start3A_244 = tpu.memref_slice %arg7[%add3A_239, %dma_start3A_243] : memref<200x128xi32, #tpu.memory_space<vmem>> -> memref<1x128xi32, #tpu.memory_space<vmem>>
        %dma_start3A_245 = tpu.memref_squeeze %dma_start3A_244 : memref<1x128xi32, #tpu.memory_space<vmem>> -> memref<128xi32, #tpu.memory_space<vmem>>
        %dma_start3A_246 = arith.constant 0 : i32
        %dma_start3A_247 = arith.constant 0 : i32
        %dma_start3A_248 = tpu.memref_slice %arg5[%dma_start3A_246, %dma_start3A_247] : memref<2000000x64xf32, #tpu.memory_space<hbm>> -> memref<2000000x64xf32, #tpu.memory_space<hbm>>
        tpu.enqueue_indirect_dma source(%dma_start3A_248 : memref<2000000x64xf32, #tpu.memory_space<hbm>>) target(%dma_start3A_242 : memref<128x64xf32, #tpu.memory_space<vmem>>) offsets(%dma_start3A_245 : memref<128xi32, #tpu.memory_space<vmem>>) semaphore(%arg14 : memref<!tpu.dma_semaphore, #tpu.memory_space<semaphore_mem>>)
        %mul3A_249 = arith.constant 2 : i32
        %mul3A_250 = arith.muli %add3A_235, %mul3A_249 : i32
        %add3A_251 = arith.constant 1 : i32
        %add3A_252 = arith.addi %mul3A_250, %add3A_251 : i32
        %dma_start3A_253 = arith.constant 128 : i32
        %dma_start3A_254 = arith.constant 0 : i32
        %dma_start3A_255 = tpu.memref_slice %arg10[%dma_start3A_253, %dma_start3A_254] : memref<256x64xf32, #tpu.memory_space<vmem>> -> memref<128x64xf32, #tpu.memory_space<vmem>>
        %dma_start3A_256 = arith.constant 0 : i32
        %dma_start3A_257 = tpu.memref_slice %arg7[%add3A_252, %dma_start3A_256] : memref<200x128xi32, #tpu.memory_space<vmem>> -> memref<1x128xi32, #tpu.memory_space<vmem>>
        %dma_start3A_258 = tpu.memref_squeeze %dma_start3A_257 : memref<1x128xi32, #tpu.memory_space<vmem>> -> memref<128xi32, #tpu.memory_space<vmem>>
        %dma_start3A_259 = arith.constant 0 : i32
        %dma_start3A_260 = arith.constant 0 : i32
        %dma_start3A_261 = tpu.memref_slice %arg5[%dma_start3A_259, %dma_start3A_260] : memref<2000000x64xf32, #tpu.memory_space<hbm>> -> memref<2000000x64xf32, #tpu.memory_space<hbm>>
        tpu.enqueue_indirect_dma source(%dma_start3A_261 : memref<2000000x64xf32, #tpu.memory_space<hbm>>) target(%dma_start3A_255 : memref<128x64xf32, #tpu.memory_space<vmem>>) offsets(%dma_start3A_258 : memref<128xi32, #tpu.memory_space<vmem>>) semaphore(%arg14 : memref<!tpu.dma_semaphore, #tpu.memory_space<semaphore_mem>>)
      } else {
      }
      %dma_wait3A_97 = arith.constant 0 : i32
      %dma_wait3A_98 = arith.constant 0 : i32
      %dma_wait3A_99 = arith.constant 0 : i32
      %dma_wait3A_100 = tpu.memref_slice %arg9[%dma_wait3A_98, %dma_wait3A_99] : memref<256x64xf32, #tpu.memory_space<vmem>> -> memref<128x64xf32, #tpu.memory_space<vmem>>
      %dma_wait3A_101 = arith.constant 0 : i32
      %dma_wait3A_102 = tpu.memref_slice %arg7[%dma_wait3A_97, %dma_wait3A_101] : memref<200x128xi32, #tpu.memory_space<vmem>> -> memref<1x128xi32, #tpu.memory_space<vmem>>
      %dma_wait3A_103 = tpu.memref_squeeze %dma_wait3A_102 : memref<1x128xi32, #tpu.memory_space<vmem>> -> memref<128xi32, #tpu.memory_space<vmem>>
      %dma_wait3A_104 = arith.constant 0 : i32
      %dma_wait3A_105 = arith.constant 0 : i32
      %dma_wait3A_106 = tpu.memref_slice %arg5[%dma_wait3A_104, %dma_wait3A_105] : memref<2000000x64xf32, #tpu.memory_space<hbm>> -> memref<2000000x64xf32, #tpu.memory_space<hbm>>
      tpu.wait_indirect_dma semaphore(%arg13 : memref<!tpu.dma_semaphore, #tpu.memory_space<semaphore_mem>>) src(%dma_wait3A_106 : memref<2000000x64xf32, #tpu.memory_space<hbm>>) dst(%dma_wait3A_100 : memref<128x64xf32, #tpu.memory_space<vmem>>)
      %dma_wait3A_107 = arith.constant 1 : i32
      %dma_wait3A_108 = arith.constant 128 : i32
      %dma_wait3A_109 = arith.constant 0 : i32
      %dma_wait3A_110 = tpu.memref_slice %arg9[%dma_wait3A_108, %dma_wait3A_109] : memref<256x64xf32, #tpu.memory_space<vmem>> -> memref<128x64xf32, #tpu.memory_space<vmem>>
      %dma_wait3A_111 = arith.constant 0 : i32
      %dma_wait3A_112 = tpu.memref_slice %arg7[%dma_wait3A_107, %dma_wait3A_111] : memref<200x128xi32, #tpu.memory_space<vmem>> -> memref<1x128xi32, #tpu.memory_space<vmem>>
      %dma_wait3A_113 = tpu.memref_squeeze %dma_wait3A_112 : memref<1x128xi32, #tpu.memory_space<vmem>> -> memref<128xi32, #tpu.memory_space<vmem>>
      %dma_wait3A_114 = arith.constant 0 : i32
      %dma_wait3A_115 = arith.constant 0 : i32
      %dma_wait3A_116 = tpu.memref_slice %arg5[%dma_wait3A_114, %dma_wait3A_115] : memref<2000000x64xf32, #tpu.memory_space<hbm>> -> memref<2000000x64xf32, #tpu.memory_space<hbm>>
      tpu.wait_indirect_dma semaphore(%arg13 : memref<!tpu.dma_semaphore, #tpu.memory_space<semaphore_mem>>) src(%dma_wait3A_116 : memref<2000000x64xf32, #tpu.memory_space<hbm>>) dst(%dma_wait3A_110 : memref<128x64xf32, #tpu.memory_space<vmem>>)
      %mul3A_117 = arith.constant 2 : i32
      %mul3A_118 = arith.muli %mul3A_92, %mul3A_117 : i32
      %add3A_119 = arith.constant 0 : i32
      %add3A_120 = arith.addi %mul3A_118, %add3A_119 : i32
      %dma_start3A_121 = arith.constant 0 : i32
      %dma_start3A_122 = arith.constant 0 : i32
      %dma_start3A_123 = tpu.memref_slice %arg9[%dma_start3A_121, %dma_start3A_122] : memref<256x64xf32, #tpu.memory_space<vmem>> -> memref<128x64xf32, #tpu.memory_space<vmem>>
      %dma_start3A_124 = arith.constant 0 : i32
      %dma_start3A_125 = tpu.memref_slice %arg8[%add3A_120, %dma_start3A_124] : memref<201x128xi32, #tpu.memory_space<vmem>> -> memref<1x128xi32, #tpu.memory_space<vmem>>
      %dma_start3A_126 = tpu.memref_squeeze %dma_start3A_125 : memref<1x128xi32, #tpu.memory_space<vmem>> -> memref<128xi32, #tpu.memory_space<vmem>>
      %dma_start3A_127 = arith.constant 0 : i32
      %dma_start3A_128 = arith.constant 0 : i32
      %dma_start3A_129 = tpu.memref_slice %arg12[%dma_start3A_127, %dma_start3A_128] : memref<2048x64xf32, #tpu.memory_space<vmem_shared>> -> memref<2048x64xf32, #tpu.memory_space<vmem_shared>>
      tpu.enqueue_indirect_dma source(%dma_start3A_123 : memref<128x64xf32, #tpu.memory_space<vmem>>) target(%dma_start3A_129 : memref<2048x64xf32, #tpu.memory_space<vmem_shared>>) offsets(%dma_start3A_126 : memref<128xi32, #tpu.memory_space<vmem>>) semaphore(%arg15 : memref<!tpu.dma_semaphore, #tpu.memory_space<semaphore_mem>>) {add = true}
      %mul3A_130 = arith.constant 2 : i32
      %mul3A_131 = arith.muli %mul3A_92, %mul3A_130 : i32
      %add3A_132 = arith.constant 1 : i32
      %add3A_133 = arith.addi %mul3A_131, %add3A_132 : i32
      %dma_start3A_134 = arith.constant 128 : i32
      %dma_start3A_135 = arith.constant 0 : i32
      %dma_start3A_136 = tpu.memref_slice %arg9[%dma_start3A_134, %dma_start3A_135] : memref<256x64xf32, #tpu.memory_space<vmem>> -> memref<128x64xf32, #tpu.memory_space<vmem>>
      %dma_start3A_137 = arith.constant 0 : i32
      %dma_start3A_138 = tpu.memref_slice %arg8[%add3A_133, %dma_start3A_137] : memref<201x128xi32, #tpu.memory_space<vmem>> -> memref<1x128xi32, #tpu.memory_space<vmem>>
      %dma_start3A_139 = tpu.memref_squeeze %dma_start3A_138 : memref<1x128xi32, #tpu.memory_space<vmem>> -> memref<128xi32, #tpu.memory_space<vmem>>
      %dma_start3A_140 = arith.constant 0 : i32
      %dma_start3A_141 = arith.constant 0 : i32
      %dma_start3A_142 = tpu.memref_slice %arg12[%dma_start3A_140, %dma_start3A_141] : memref<2048x64xf32, #tpu.memory_space<vmem_shared>> -> memref<2048x64xf32, #tpu.memory_space<vmem_shared>>
      tpu.enqueue_indirect_dma source(%dma_start3A_136 : memref<128x64xf32, #tpu.memory_space<vmem>>) target(%dma_start3A_142 : memref<2048x64xf32, #tpu.memory_space<vmem_shared>>) offsets(%dma_start3A_139 : memref<128xi32, #tpu.memory_space<vmem>>) semaphore(%arg15 : memref<!tpu.dma_semaphore, #tpu.memory_space<semaphore_mem>>) {add = true}
      %dma_wait3A_143 = arith.constant 0 : i32
      %dma_wait3A_144 = arith.constant 0 : i32
      %dma_wait3A_145 = tpu.memref_slice %arg9[%dma_wait3A_143, %dma_wait3A_144] : memref<256x64xf32, #tpu.memory_space<vmem>> -> memref<128x64xf32, #tpu.memory_space<vmem>>
      %dma_wait3A_146 = arith.constant 0 : i32
      %dma_wait3A_147 = tpu.memref_slice %arg8[%add3A_120, %dma_wait3A_146] : memref<201x128xi32, #tpu.memory_space<vmem>> -> memref<1x128xi32, #tpu.memory_space<vmem>>
      %dma_wait3A_148 = tpu.memref_squeeze %dma_wait3A_147 : memref<1x128xi32, #tpu.memory_space<vmem>> -> memref<128xi32, #tpu.memory_space<vmem>>
      %dma_wait3A_149 = arith.constant 0 : i32
      %dma_wait3A_150 = arith.constant 0 : i32
      %dma_wait3A_151 = tpu.memref_slice %arg12[%dma_wait3A_149, %dma_wait3A_150] : memref<2048x64xf32, #tpu.memory_space<vmem_shared>> -> memref<2048x64xf32, #tpu.memory_space<vmem_shared>>
      tpu.wait_indirect_dma semaphore(%arg15 : memref<!tpu.dma_semaphore, #tpu.memory_space<semaphore_mem>>) src(%dma_wait3A_145 : memref<128x64xf32, #tpu.memory_space<vmem>>) dst(%dma_wait3A_151 : memref<2048x64xf32, #tpu.memory_space<vmem_shared>>)
      %dma_wait3A_152 = arith.constant 128 : i32
      %dma_wait3A_153 = arith.constant 0 : i32
      %dma_wait3A_154 = tpu.memref_slice %arg9[%dma_wait3A_152, %dma_wait3A_153] : memref<256x64xf32, #tpu.memory_space<vmem>> -> memref<128x64xf32, #tpu.memory_space<vmem>>
      %dma_wait3A_155 = arith.constant 0 : i32
      %dma_wait3A_156 = tpu.memref_slice %arg8[%add3A_133, %dma_wait3A_155] : memref<201x128xi32, #tpu.memory_space<vmem>> -> memref<1x128xi32, #tpu.memory_space<vmem>>
      %dma_wait3A_157 = tpu.memref_squeeze %dma_wait3A_156 : memref<1x128xi32, #tpu.memory_space<vmem>> -> memref<128xi32, #tpu.memory_space<vmem>>
      %dma_wait3A_158 = arith.constant 0 : i32
      %dma_wait3A_159 = arith.constant 0 : i32
      %dma_wait3A_160 = tpu.memref_slice %arg12[%dma_wait3A_158, %dma_wait3A_159] : memref<2048x64xf32, #tpu.memory_space<vmem_shared>> -> memref<2048x64xf32, #tpu.memory_space<vmem_shared>>
      tpu.wait_indirect_dma semaphore(%arg15 : memref<!tpu.dma_semaphore, #tpu.memory_space<semaphore_mem>>) src(%dma_wait3A_154 : memref<128x64xf32, #tpu.memory_space<vmem>>) dst(%dma_wait3A_160 : memref<2048x64xf32, #tpu.memory_space<vmem_shared>>)
      %add3A_161 = arith.constant 1 : i32
      %add3A_162 = arith.addi %mul3A_92, %add3A_161 : i32
      %add3A_163 = arith.constant 1 : i32
      %add3A_164 = arith.addi %add3A_162, %add3A_163 : i32
      %lt3A_165 = arith.constant 100 : i32
      %lt3A_166 = arith.cmpi slt, %add3A_164, %lt3A_165 : i32
      %convert_element_type3A_167 = arith.extui %lt3A_166 : i1 to i32
      %cond3A_168 = arith.constant 0 : i32
      %cond3A_169 = arith.cmpi ne, %convert_element_type3A_167, %cond3A_168 : i32
      scf.if %cond3A_169 {
        %add3A_234 = arith.constant 1 : i32
        %add3A_235 = arith.addi %add3A_162, %add3A_234 : i32
        %mul3A_236 = arith.constant 2 : i32
        %mul3A_237 = arith.muli %add3A_235, %mul3A_236 : i32
        %add3A_238 = arith.constant 0 : i32
        %add3A_239 = arith.addi %mul3A_237, %add3A_238 : i32
        %dma_start3A_240 = arith.constant 0 : i32
        %dma_start3A_241 = arith.constant 0 : i32
        %dma_start3A_242 = tpu.memref_slice %arg9[%dma_start3A_240, %dma_start3A_241] : memref<256x64xf32, #tpu.memory_space<vmem>> -> memref<128x64xf32, #tpu.memory_space<vmem>>
        %dma_start3A_243 = arith.constant 0 : i32
        %dma_start3A_244 = tpu.memref_slice %arg7[%add3A_239, %dma_start3A_243] : memref<200x128xi32, #tpu.memory_space<vmem>> -> memref<1x128xi32, #tpu.memory_space<vmem>>
        %dma_start3A_245 = tpu.memref_squeeze %dma_start3A_244 : memref<1x128xi32, #tpu.memory_space<vmem>> -> memref<128xi32, #tpu.memory_space<vmem>>
        %dma_start3A_246 = arith.constant 0 : i32
        %dma_start3A_247 = arith.constant 0 : i32
        %dma_start3A_248 = tpu.memref_slice %arg5[%dma_start3A_246, %dma_start3A_247] : memref<2000000x64xf32, #tpu.memory_space<hbm>> -> memref<2000000x64xf32, #tpu.memory_space<hbm>>
        tpu.enqueue_indirect_dma source(%dma_start3A_248 : memref<2000000x64xf32, #tpu.memory_space<hbm>>) target(%dma_start3A_242 : memref<128x64xf32, #tpu.memory_space<vmem>>) offsets(%dma_start3A_245 : memref<128xi32, #tpu.memory_space<vmem>>) semaphore(%arg13 : memref<!tpu.dma_semaphore, #tpu.memory_space<semaphore_mem>>)
        %mul3A_249 = arith.constant 2 : i32
        %mul3A_250 = arith.muli %add3A_235, %mul3A_249 : i32
        %add3A_251 = arith.constant 1 : i32
        %add3A_252 = arith.addi %mul3A_250, %add3A_251 : i32
        %dma_start3A_253 = arith.constant 128 : i32
        %dma_start3A_254 = arith.constant 0 : i32
        %dma_start3A_255 = tpu.memref_slice %arg9[%dma_start3A_253, %dma_start3A_254] : memref<256x64xf32, #tpu.memory_space<vmem>> -> memref<128x64xf32, #tpu.memory_space<vmem>>
        %dma_start3A_256 = arith.constant 0 : i32
        %dma_start3A_257 = tpu.memref_slice %arg7[%add3A_252, %dma_start3A_256] : memref<200x128xi32, #tpu.memory_space<vmem>> -> memref<1x128xi32, #tpu.memory_space<vmem>>
        %dma_start3A_258 = tpu.memref_squeeze %dma_start3A_257 : memref<1x128xi32, #tpu.memory_space<vmem>> -> memref<128xi32, #tpu.memory_space<vmem>>
        %dma_start3A_259 = arith.constant 0 : i32
        %dma_start3A_260 = arith.constant 0 : i32
        %dma_start3A_261 = tpu.memref_slice %arg5[%dma_start3A_259, %dma_start3A_260] : memref<2000000x64xf32, #tpu.memory_space<hbm>> -> memref<2000000x64xf32, #tpu.memory_space<hbm>>
        tpu.enqueue_indirect_dma source(%dma_start3A_261 : memref<2000000x64xf32, #tpu.memory_space<hbm>>) target(%dma_start3A_255 : memref<128x64xf32, #tpu.memory_space<vmem>>) offsets(%dma_start3A_258 : memref<128xi32, #tpu.memory_space<vmem>>) semaphore(%arg13 : memref<!tpu.dma_semaphore, #tpu.memory_space<semaphore_mem>>)
      } else {
      }
      %dma_wait3A_170 = arith.constant 0 : i32
      %dma_wait3A_171 = arith.constant 0 : i32
      %dma_wait3A_172 = arith.constant 0 : i32
      %dma_wait3A_173 = tpu.memref_slice %arg10[%dma_wait3A_171, %dma_wait3A_172] : memref<256x64xf32, #tpu.memory_space<vmem>> -> memref<128x64xf32, #tpu.memory_space<vmem>>
      %dma_wait3A_174 = arith.constant 0 : i32
      %dma_wait3A_175 = tpu.memref_slice %arg7[%dma_wait3A_170, %dma_wait3A_174] : memref<200x128xi32, #tpu.memory_space<vmem>> -> memref<1x128xi32, #tpu.memory_space<vmem>>
      %dma_wait3A_176 = tpu.memref_squeeze %dma_wait3A_175 : memref<1x128xi32, #tpu.memory_space<vmem>> -> memref<128xi32, #tpu.memory_space<vmem>>
      %dma_wait3A_177 = arith.constant 0 : i32
      %dma_wait3A_178 = arith.constant 0 : i32
      %dma_wait3A_179 = tpu.memref_slice %arg5[%dma_wait3A_177, %dma_wait3A_178] : memref<2000000x64xf32, #tpu.memory_space<hbm>> -> memref<2000000x64xf32, #tpu.memory_space<hbm>>
      tpu.wait_indirect_dma semaphore(%arg14 : memref<!tpu.dma_semaphore, #tpu.memory_space<semaphore_mem>>) src(%dma_wait3A_179 : memref<2000000x64xf32, #tpu.memory_space<hbm>>) dst(%dma_wait3A_173 : memref<128x64xf32, #tpu.memory_space<vmem>>)
      %dma_wait3A_180 = arith.constant 1 : i32
      %dma_wait3A_181 = arith.constant 128 : i32
      %dma_wait3A_182 = arith.constant 0 : i32
      %dma_wait3A_183 = tpu.memref_slice %arg10[%dma_wait3A_181, %dma_wait3A_182] : memref<256x64xf32, #tpu.memory_space<vmem>> -> memref<128x64xf32, #tpu.memory_space<vmem>>
      %dma_wait3A_184 = arith.constant 0 : i32
      %dma_wait3A_185 = tpu.memref_slice %arg7[%dma_wait3A_180, %dma_wait3A_184] : memref<200x128xi32, #tpu.memory_space<vmem>> -> memref<1x128xi32, #tpu.memory_space<vmem>>
      %dma_wait3A_186 = tpu.memref_squeeze %dma_wait3A_185 : memref<1x128xi32, #tpu.memory_space<vmem>> -> memref<128xi32, #tpu.memory_space<vmem>>
      %dma_wait3A_187 = arith.constant 0 : i32
      %dma_wait3A_188 = arith.constant 0 : i32
      %dma_wait3A_189 = tpu.memref_slice %arg5[%dma_wait3A_187, %dma_wait3A_188] : memref<2000000x64xf32, #tpu.memory_space<hbm>> -> memref<2000000x64xf32, #tpu.memory_space<hbm>>
      tpu.wait_indirect_dma semaphore(%arg14 : memref<!tpu.dma_semaphore, #tpu.memory_space<semaphore_mem>>) src(%dma_wait3A_189 : memref<2000000x64xf32, #tpu.memory_space<hbm>>) dst(%dma_wait3A_183 : memref<128x64xf32, #tpu.memory_space<vmem>>)
      %mul3A_190 = arith.constant 2 : i32
      %mul3A_191 = arith.muli %add3A_162, %mul3A_190 : i32
      %add3A_192 = arith.constant 0 : i32
      %add3A_193 = arith.addi %mul3A_191, %add3A_192 : i32
      %dma_start3A_194 = arith.constant 0 : i32
      %dma_start3A_195 = arith.constant 0 : i32
      %dma_start3A_196 = tpu.memref_slice %arg10[%dma_start3A_194, %dma_start3A_195] : memref<256x64xf32, #tpu.memory_space<vmem>> -> memref<128x64xf32, #tpu.memory_space<vmem>>
      %dma_start3A_197 = arith.constant 0 : i32
      %dma_start3A_198 = tpu.memref_slice %arg8[%add3A_193, %dma_start3A_197] : memref<201x128xi32, #tpu.memory_space<vmem>> -> memref<1x128xi32, #tpu.memory_space<vmem>>
      %dma_start3A_199 = tpu.memref_squeeze %dma_start3A_198 : memref<1x128xi32, #tpu.memory_space<vmem>> -> memref<128xi32, #tpu.memory_space<vmem>>
      %dma_start3A_200 = arith.constant 0 : i32
      %dma_start3A_201 = arith.constant 0 : i32
      %dma_start3A_202 = tpu.memref_slice %arg12[%dma_start3A_200, %dma_start3A_201] : memref<2048x64xf32, #tpu.memory_space<vmem_shared>> -> memref<2048x64xf32, #tpu.memory_space<vmem_shared>>
      tpu.enqueue_indirect_dma source(%dma_start3A_196 : memref<128x64xf32, #tpu.memory_space<vmem>>) target(%dma_start3A_202 : memref<2048x64xf32, #tpu.memory_space<vmem_shared>>) offsets(%dma_start3A_199 : memref<128xi32, #tpu.memory_space<vmem>>) semaphore(%arg15 : memref<!tpu.dma_semaphore, #tpu.memory_space<semaphore_mem>>) {add = true}
      %mul3A_203 = arith.constant 2 : i32
      %mul3A_204 = arith.muli %add3A_162, %mul3A_203 : i32
      %add3A_205 = arith.constant 1 : i32
      %add3A_206 = arith.addi %mul3A_204, %add3A_205 : i32
      %dma_start3A_207 = arith.constant 128 : i32
      %dma_start3A_208 = arith.constant 0 : i32
      %dma_start3A_209 = tpu.memref_slice %arg10[%dma_start3A_207, %dma_start3A_208] : memref<256x64xf32, #tpu.memory_space<vmem>> -> memref<128x64xf32, #tpu.memory_space<vmem>>
      %dma_start3A_210 = arith.constant 0 : i32
      %dma_start3A_211 = tpu.memref_slice %arg8[%add3A_206, %dma_start3A_210] : memref<201x128xi32, #tpu.memory_space<vmem>> -> memref<1x128xi32, #tpu.memory_space<vmem>>
      %dma_start3A_212 = tpu.memref_squeeze %dma_start3A_211 : memref<1x128xi32, #tpu.memory_space<vmem>> -> memref<128xi32, #tpu.memory_space<vmem>>
      %dma_start3A_213 = arith.constant 0 : i32
      %dma_start3A_214 = arith.constant 0 : i32
      %dma_start3A_215 = tpu.memref_slice %arg12[%dma_start3A_213, %dma_start3A_214] : memref<2048x64xf32, #tpu.memory_space<vmem_shared>> -> memref<2048x64xf32, #tpu.memory_space<vmem_shared>>
      tpu.enqueue_indirect_dma source(%dma_start3A_209 : memref<128x64xf32, #tpu.memory_space<vmem>>) target(%dma_start3A_215 : memref<2048x64xf32, #tpu.memory_space<vmem_shared>>) offsets(%dma_start3A_212 : memref<128xi32, #tpu.memory_space<vmem>>) semaphore(%arg15 : memref<!tpu.dma_semaphore, #tpu.memory_space<semaphore_mem>>) {add = true}
      %dma_wait3A_216 = arith.constant 0 : i32
      %dma_wait3A_217 = arith.constant 0 : i32
      %dma_wait3A_218 = tpu.memref_slice %arg10[%dma_wait3A_216, %dma_wait3A_217] : memref<256x64xf32, #tpu.memory_space<vmem>> -> memref<128x64xf32, #tpu.memory_space<vmem>>
      %dma_wait3A_219 = arith.constant 0 : i32
      %dma_wait3A_220 = tpu.memref_slice %arg8[%add3A_193, %dma_wait3A_219] : memref<201x128xi32, #tpu.memory_space<vmem>> -> memref<1x128xi32, #tpu.memory_space<vmem>>
      %dma_wait3A_221 = tpu.memref_squeeze %dma_wait3A_220 : memref<1x128xi32, #tpu.memory_space<vmem>> -> memref<128xi32, #tpu.memory_space<vmem>>
      %dma_wait3A_222 = arith.constant 0 : i32
      %dma_wait3A_223 = arith.constant 0 : i32
      %dma_wait3A_224 = tpu.memref_slice %arg12[%dma_wait3A_222, %dma_wait3A_223] : memref<2048x64xf32, #tpu.memory_space<vmem_shared>> -> memref<2048x64xf32, #tpu.memory_space<vmem_shared>>
      tpu.wait_indirect_dma semaphore(%arg15 : memref<!tpu.dma_semaphore, #tpu.memory_space<semaphore_mem>>) src(%dma_wait3A_218 : memref<128x64xf32, #tpu.memory_space<vmem>>) dst(%dma_wait3A_224 : memref<2048x64xf32, #tpu.memory_space<vmem_shared>>)
      %dma_wait3A_225 = arith.constant 128 : i32
      %dma_wait3A_226 = arith.constant 0 : i32
      %dma_wait3A_227 = tpu.memref_slice %arg10[%dma_wait3A_225, %dma_wait3A_226] : memref<256x64xf32, #tpu.memory_space<vmem>> -> memref<128x64xf32, #tpu.memory_space<vmem>>
      %dma_wait3A_228 = arith.constant 0 : i32
      %dma_wait3A_229 = tpu.memref_slice %arg8[%add3A_206, %dma_wait3A_228] : memref<201x128xi32, #tpu.memory_space<vmem>> -> memref<1x128xi32, #tpu.memory_space<vmem>>
      %dma_wait3A_230 = tpu.memref_squeeze %dma_wait3A_229 : memref<1x128xi32, #tpu.memory_space<vmem>> -> memref<128xi32, #tpu.memory_space<vmem>>
      %dma_wait3A_231 = arith.constant 0 : i32
      %dma_wait3A_232 = arith.constant 0 : i32
      %dma_wait3A_233 = tpu.memref_slice %arg12[%dma_wait3A_231, %dma_wait3A_232] : memref<2048x64xf32, #tpu.memory_space<vmem_shared>> -> memref<2048x64xf32, #tpu.memory_space<vmem_shared>>
      tpu.wait_indirect_dma semaphore(%arg15 : memref<!tpu.dma_semaphore, #tpu.memory_space<semaphore_mem>>) src(%dma_wait3A_227 : memref<128x64xf32, #tpu.memory_space<vmem>>) dst(%dma_wait3A_233 : memref<2048x64xf32, #tpu.memory_space<vmem_shared>>)
    }
    %scan3A_47 = arith.constant 50 : i32
    %dma_start3A_48 = arith.constant 200 : i32
    %dma_start3A_49 = arith.constant 0 : i32
    %dma_start3A_50 = tpu.memref_slice %arg8[%dma_start3A_48, %dma_start3A_49] : memref<201x128xi32, #tpu.memory_space<vmem>> -> memref<1x128xi32, #tpu.memory_space<vmem>>
    %dma_start3A_51 = tpu.memref_squeeze %dma_start3A_50 : memref<1x128xi32, #tpu.memory_space<vmem>> -> memref<128xi32, #tpu.memory_space<vmem>>
    %dma_start3A_52 = arith.constant 0 : i32
    %dma_start3A_53 = arith.constant 0 : i32
    %dma_start3A_54 = tpu.memref_slice %arg12[%dma_start3A_52, %dma_start3A_53] : memref<2048x64xf32, #tpu.memory_space<vmem_shared>> -> memref<2048x64xf32, #tpu.memory_space<vmem_shared>>
    tpu.enqueue_indirect_dma source(%arg11 : memref<128x64xf32, #tpu.memory_space<vmem>>) target(%dma_start3A_54 : memref<2048x64xf32, #tpu.memory_space<vmem_shared>>) offsets(%dma_start3A_51 : memref<128xi32, #tpu.memory_space<vmem>>) semaphore(%arg15 : memref<!tpu.dma_semaphore, #tpu.memory_space<semaphore_mem>>) {add = true}
    %dma_wait3A_55 = arith.constant 200 : i32
    %dma_wait3A_56 = arith.constant 0 : i32
    %dma_wait3A_57 = tpu.memref_slice %arg8[%dma_wait3A_55, %dma_wait3A_56] : memref<201x128xi32, #tpu.memory_space<vmem>> -> memref<1x128xi32, #tpu.memory_space<vmem>>
    %dma_wait3A_58 = tpu.memref_squeeze %dma_wait3A_57 : memref<1x128xi32, #tpu.memory_space<vmem>> -> memref<128xi32, #tpu.memory_space<vmem>>
    %dma_wait3A_59 = arith.constant 0 : i32
    %dma_wait3A_60 = arith.constant 0 : i32
    %dma_wait3A_61 = tpu.memref_slice %arg12[%dma_wait3A_59, %dma_wait3A_60] : memref<2048x64xf32, #tpu.memory_space<vmem_shared>> -> memref<2048x64xf32, #tpu.memory_space<vmem_shared>>
    tpu.wait_indirect_dma semaphore(%arg15 : memref<!tpu.dma_semaphore, #tpu.memory_space<semaphore_mem>>) src(%arg11 : memref<128x64xf32, #tpu.memory_space<vmem>>) dst(%dma_wait3A_61 : memref<2048x64xf32, #tpu.memory_space<vmem_shared>>)
    %dma_start3A_62 = arith.constant 200 : i32
    %dma_start3A_63 = arith.constant 0 : i32
    %dma_start3A_64 = arith.constant 0 : i32
    %dma_start3A_65 = tpu.memref_slice %arg9[%dma_start3A_63, %dma_start3A_64] : memref<256x64xf32, #tpu.memory_space<vmem>> -> memref<128x64xf32, #tpu.memory_space<vmem>>
    %dma_start3A_66 = arith.constant 0 : i32
    %dma_start3A_67 = tpu.memref_slice %arg8[%dma_start3A_62, %dma_start3A_66] : memref<201x128xi32, #tpu.memory_space<vmem>> -> memref<1x128xi32, #tpu.memory_space<vmem>>
    %dma_start3A_68 = tpu.memref_squeeze %dma_start3A_67 : memref<1x128xi32, #tpu.memory_space<vmem>> -> memref<128xi32, #tpu.memory_space<vmem>>
    %dma_start3A_69 = arith.constant 0 : i32
    %dma_start3A_70 = arith.constant 0 : i32
    %dma_start3A_71 = tpu.memref_slice %arg12[%dma_start3A_69, %dma_start3A_70] : memref<2048x64xf32, #tpu.memory_space<vmem_shared>> -> memref<2048x64xf32, #tpu.memory_space<vmem_shared>>
    tpu.enqueue_indirect_dma source(%dma_start3A_71 : memref<2048x64xf32, #tpu.memory_space<vmem_shared>>) target(%dma_start3A_65 : memref<128x64xf32, #tpu.memory_space<vmem>>) offsets(%dma_start3A_68 : memref<128xi32, #tpu.memory_space<vmem>>) semaphore(%arg13 : memref<!tpu.dma_semaphore, #tpu.memory_space<semaphore_mem>>)
    %dma_wait3A_72 = arith.constant 200 : i32
    %dma_wait3A_73 = arith.constant 0 : i32
    %dma_wait3A_74 = arith.constant 0 : i32
    %dma_wait3A_75 = tpu.memref_slice %arg9[%dma_wait3A_73, %dma_wait3A_74] : memref<256x64xf32, #tpu.memory_space<vmem>> -> memref<128x64xf32, #tpu.memory_space<vmem>>
    %dma_wait3A_76 = arith.constant 0 : i32
    %dma_wait3A_77 = tpu.memref_slice %arg8[%dma_wait3A_72, %dma_wait3A_76] : memref<201x128xi32, #tpu.memory_space<vmem>> -> memref<1x128xi32, #tpu.memory_space<vmem>>
    %dma_wait3A_78 = tpu.memref_squeeze %dma_wait3A_77 : memref<1x128xi32, #tpu.memory_space<vmem>> -> memref<128xi32, #tpu.memory_space<vmem>>
    %dma_wait3A_79 = arith.constant 0 : i32
    %dma_wait3A_80 = arith.constant 0 : i32
    %dma_wait3A_81 = tpu.memref_slice %arg12[%dma_wait3A_79, %dma_wait3A_80] : memref<2048x64xf32, #tpu.memory_space<vmem_shared>> -> memref<2048x64xf32, #tpu.memory_space<vmem_shared>>
    tpu.wait_indirect_dma semaphore(%arg13 : memref<!tpu.dma_semaphore, #tpu.memory_space<semaphore_mem>>) src(%dma_wait3A_81 : memref<2048x64xf32, #tpu.memory_space<vmem_shared>>) dst(%dma_wait3A_75 : memref<128x64xf32, #tpu.memory_space<vmem>>)
    %scan3A_82 = arith.constant 0 : i32
    %scan3A_83 = arith.constant 0 : i32
    %scan3A_84 = arith.constant 128 : i32
    %scan3A_85 = arith.addi %scan3A_83, %scan3A_84 : i32
    %scan3A_86 = arith.constant 1 : i32
    scf.for %scan3A_90 = %scan3A_83 to %scan3A_85 step %scan3A_86  : i32 {
      %broadcast_in_dim3A = arith.constant 0.000000e+00 : f32
      %broadcast_in_dim3A_91 = vector.broadcast %broadcast_in_dim3A : f32 to vector<16xf32>
      %get3A = arith.index_cast %scan3A_90 : i32 to index
      %get3A_92 = arith.constant 0 : index
      %get3A_93 = tpu.vector_load %arg9[%get3A, %get3A_92] {strides = array<i32>} : memref<256x64xf32, #tpu.memory_space<vmem>>, vector<16xf32>,
      %mul3A_94 = arith.mulf %get3A_93, %get3A_93 : vector<16xf32>
      %add3A_95 = arith.addf %broadcast_in_dim3A_91, %mul3A_94 : vector<16xf32>
      %get3A_96 = arith.index_cast %scan3A_90 : i32 to index
      %get3A_97 = arith.constant 16 : index
      %get3A_98 = tpu.vector_load %arg9[%get3A_96, %get3A_97] {strides = array<i32>} : memref<256x64xf32, #tpu.memory_space<vmem>>, vector<16xf32>,
      %mul3A_99 = arith.mulf %get3A_98, %get3A_98 : vector<16xf32>
      %add3A_100 = arith.addf %add3A_95, %mul3A_99 : vector<16xf32>
      %get3A_101 = arith.index_cast %scan3A_90 : i32 to index
      %get3A_102 = arith.constant 32 : index
      %get3A_103 = tpu.vector_load %arg9[%get3A_101, %get3A_102] {strides = array<i32>} : memref<256x64xf32, #tpu.memory_space<vmem>>, vector<16xf32>,
      %mul3A_104 = arith.mulf %get3A_103, %get3A_103 : vector<16xf32>
      %add3A_105 = arith.addf %add3A_100, %mul3A_104 : vector<16xf32>
      %get3A_106 = arith.index_cast %scan3A_90 : i32 to index
      %get3A_107 = arith.constant 48 : index
      %get3A_108 = tpu.vector_load %arg9[%get3A_106, %get3A_107] {strides = array<i32>} : memref<256x64xf32, #tpu.memory_space<vmem>>, vector<16xf32>,
      %mul3A_109 = arith.mulf %get3A_108, %get3A_108 : vector<16xf32>
      %add3A_110 = arith.addf %add3A_105, %mul3A_109 : vector<16xf32>
      %reduce_sum3A = arith.constant true
      %reduce_sum3A_111 = vector.broadcast %reduce_sum3A : i1 to vector<16xi1>
      %reduce_sum3A_112 = tpu.scan <sum>, %add3A_110 masked %reduce_sum3A_111 : vector<16xf32>, vector<16xi1> -> vector<16xf32>
      %reduce_sum3A_113 = vector.extract %reduce_sum3A_112[15] : f32 from vector<16xf32>
      %max3A = arith.constant 4.000000e-20 : f32
      %max3A_114 = arith.maximumf %reduce_sum3A_113, %max3A : f32
      %bitcast_convert_type3A = arith.bitcast %max3A_114 : f32 to i32
      %shift_right_logical3A = arith.constant 1 : i32
      %shift_right_logical3A_115 = arith.shrui %bitcast_convert_type3A, %shift_right_logical3A : i32
      %sub3A = arith.constant 1597463007 : i32
      %sub3A_116 = arith.subi %sub3A, %shift_right_logical3A_115 : i32
      %bitcast_convert_type3A_117 = arith.bitcast %sub3A_116 : i32 to f32
      %mul3A_118 = arith.constant 5.000000e-01 : f32
      %mul3A_119 = arith.mulf %mul3A_118, %max3A_114 : f32
      %mul3A_120 = arith.mulf %mul3A_119, %bitcast_convert_type3A_117 : f32
      %mul3A_121 = arith.mulf %mul3A_120, %bitcast_convert_type3A_117 : f32
      %sub3A_122 = arith.constant 1.500000e+00 : f32
      %sub3A_123 = arith.subf %sub3A_122, %mul3A_121 : f32
      %mul3A_124 = arith.mulf %bitcast_convert_type3A_117, %sub3A_123 : f32
      %mul3A_125 = arith.constant 5.000000e-01 : f32
      %mul3A_126 = arith.mulf %mul3A_125, %max3A_114 : f32
      %mul3A_127 = arith.mulf %mul3A_126, %mul3A_124 : f32
      %mul3A_128 = arith.mulf %mul3A_127, %mul3A_124 : f32
      %sub3A_129 = arith.constant 1.500000e+00 : f32
      %sub3A_130 = arith.subf %sub3A_129, %mul3A_128 : f32
      %mul3A_131 = arith.mulf %mul3A_124, %sub3A_130 : f32
      %mul3A_132 = arith.constant 5.000000e-01 : f32
      %mul3A_133 = arith.mulf %mul3A_132, %max3A_114 : f32
      %mul3A_134 = arith.mulf %mul3A_133, %mul3A_131 : f32
      %mul3A_135 = arith.mulf %mul3A_134, %mul3A_131 : f32
      %sub3A_136 = arith.constant 1.500000e+00 : f32
      %sub3A_137 = arith.subf %sub3A_136, %mul3A_135 : f32
      %mul3A_138 = arith.mulf %mul3A_131, %sub3A_137 : f32
      %get3A_139 = arith.index_cast %scan3A_90 : i32 to index
      %get3A_140 = arith.constant 0 : index
      %get3A_141 = tpu.vector_load %arg9[%get3A_139, %get3A_140] {strides = array<i32>} : memref<256x64xf32, #tpu.memory_space<vmem>>, vector<16xf32>,
      %mul3A_142 = vector.broadcast %mul3A_138 : f32 to vector<16xf32>
      %mul3A_143 = arith.mulf %get3A_141, %mul3A_142 : vector<16xf32>
      %swap3A = arith.index_cast %scan3A_90 : i32 to index
      %swap3A_144 = arith.constant 0 : index
      %swap3A_145 = tpu.vector_load %arg9[%swap3A, %swap3A_144] {strides = array<i32>} : memref<256x64xf32, #tpu.memory_space<vmem>>, vector<16xf32>,
      tpu.vector_store %arg9[%swap3A, %swap3A_144], %mul3A_143 {strides = array<i32>} : memref<256x64xf32, #tpu.memory_space<vmem>>, vector<16xf32>,
      %get3A_146 = arith.index_cast %scan3A_90 : i32 to index
      %get3A_147 = arith.constant 16 : index
      %get3A_148 = tpu.vector_load %arg9[%get3A_146, %get3A_147] {strides = array<i32>} : memref<256x64xf32, #tpu.memory_space<vmem>>, vector<16xf32>,
      %mul3A_149 = vector.broadcast %mul3A_138 : f32 to vector<16xf32>
      %mul3A_150 = arith.mulf %get3A_148, %mul3A_149 : vector<16xf32>
      %swap3A_151 = arith.index_cast %scan3A_90 : i32 to index
      %swap3A_152 = arith.constant 16 : index
      %swap3A_153 = tpu.vector_load %arg9[%swap3A_151, %swap3A_152] {strides = array<i32>} : memref<256x64xf32, #tpu.memory_space<vmem>>, vector<16xf32>,
      tpu.vector_store %arg9[%swap3A_151, %swap3A_152], %mul3A_150 {strides = array<i32>} : memref<256x64xf32, #tpu.memory_space<vmem>>, vector<16xf32>,
      %get3A_154 = arith.index_cast %scan3A_90 : i32 to index
      %get3A_155 = arith.constant 32 : index
      %get3A_156 = tpu.vector_load %arg9[%get3A_154, %get3A_155] {strides = array<i32>} : memref<256x64xf32, #tpu.memory_space<vmem>>, vector<16xf32>,
      %mul3A_157 = vector.broadcast %mul3A_138 : f32 to vector<16xf32>
      %mul3A_158 = arith.mulf %get3A_156, %mul3A_157 : vector<16xf32>
      %swap3A_159 = arith.index_cast %scan3A_90 : i32 to index
      %swap3A_160 = arith.constant 32 : index
      %swap3A_161 = tpu.vector_load %arg9[%swap3A_159, %swap3A_160] {strides = array<i32>} : memref<256x64xf32, #tpu.memory_space<vmem>>, vector<16xf32>,
      tpu.vector_store %arg9[%swap3A_159, %swap3A_160], %mul3A_158 {strides = array<i32>} : memref<256x64xf32, #tpu.memory_space<vmem>>, vector<16xf32>,
      %get3A_162 = arith.index_cast %scan3A_90 : i32 to index
      %get3A_163 = arith.constant 48 : index
      %get3A_164 = tpu.vector_load %arg9[%get3A_162, %get3A_163] {strides = array<i32>} : memref<256x64xf32, #tpu.memory_space<vmem>>, vector<16xf32>,
      %mul3A_165 = vector.broadcast %mul3A_138 : f32 to vector<16xf32>
      %mul3A_166 = arith.mulf %get3A_164, %mul3A_165 : vector<16xf32>
      %swap3A_167 = arith.index_cast %scan3A_90 : i32 to index
      %swap3A_168 = arith.constant 48 : index
      %swap3A_169 = tpu.vector_load %arg9[%swap3A_167, %swap3A_168] {strides = array<i32>} : memref<256x64xf32, #tpu.memory_space<vmem>>, vector<16xf32>,
      tpu.vector_store %arg9[%swap3A_167, %swap3A_168], %mul3A_166 {strides = array<i32>} : memref<256x64xf32, #tpu.memory_space<vmem>>, vector<16xf32>,
    }
    %scan3A_87 = arith.constant 128 : i32
    %mul3A_88 = arith.constant 128 : i32
    %mul3A_89 = arith.muli %add3A, %mul3A_88 : i32
    "tpu.region"() ({
      %run_scoped3A = tpu.sem_alloc : memref<!tpu.dma_semaphore, #tpu.memory_space<semaphore_mem>>
      %dma_start3A_90 = arith.constant 0 : i32
      %dma_start3A_91 = arith.constant 0 : i32
      %dma_start3A_92 = tpu.memref_slice %arg9[%dma_start3A_90, %dma_start3A_91] : memref<256x64xf32, #tpu.memory_space<vmem>> -> memref<128x64xf32, #tpu.memory_space<vmem>>
      %dma_start3A_93 = arith.constant 0 : i32
      %dma_start3A_94 = tpu.memref_slice %arg6[%mul3A_89, %dma_start3A_93] : memref<4096x64xf32, #tpu.memory_space<hbm>> -> memref<128x64xf32, #tpu.memory_space<hbm>>
      %dma_start3A_95 = arith.constant 0 : i32
      %dma_start3A_96 = tpu.memref_slice %arg6[%mul3A_89, %dma_start3A_95] : memref<4096x64xf32, #tpu.memory_space<hbm>> -> memref<128x64xf32, #tpu.memory_space<hbm>>
      %dma_start3A_97 = arith.constant 0 : i32
      %dma_start3A_98 = arith.constant 0 : i32
      %dma_start3A_99 = tpu.memref_slice %arg9[%dma_start3A_97, %dma_start3A_98] : memref<256x64xf32, #tpu.memory_space<vmem>> -> memref<128x64xf32, #tpu.memory_space<vmem>>
      tpu.enqueue_dma source(%dma_start3A_99 : memref<128x64xf32, #tpu.memory_space<vmem>>) target(%dma_start3A_96 : memref<128x64xf32, #tpu.memory_space<hbm>>) target_semaphore(%run_scoped3A : memref<!tpu.dma_semaphore, #tpu.memory_space<semaphore_mem>>)
      %dma_wait3A_100 = arith.constant 0 : i32
      %dma_wait3A_101 = arith.constant 0 : i32
      %dma_wait3A_102 = tpu.memref_slice %arg9[%dma_wait3A_100, %dma_wait3A_101] : memref<256x64xf32, #tpu.memory_space<vmem>> -> memref<128x64xf32, #tpu.memory_space<vmem>>
      %dma_wait3A_103 = arith.constant 0 : i32
      %dma_wait3A_104 = tpu.memref_slice %arg6[%mul3A_89, %dma_wait3A_103] : memref<4096x64xf32, #tpu.memory_space<hbm>> -> memref<128x64xf32, #tpu.memory_space<hbm>>
      %dma_wait3A_105 = arith.constant 0 : i32
      %dma_wait3A_106 = tpu.memref_slice %arg6[%mul3A_89, %dma_wait3A_105] : memref<4096x64xf32, #tpu.memory_space<hbm>> -> memref<128x64xf32, #tpu.memory_space<hbm>>
      %dma_wait3A_107 = arith.constant 0 : i32
      %dma_wait3A_108 = arith.constant 0 : i32
      %dma_wait3A_109 = tpu.memref_slice %arg9[%dma_wait3A_107, %dma_wait3A_108] : memref<256x64xf32, #tpu.memory_space<vmem>> -> memref<128x64xf32, #tpu.memory_space<vmem>>
      tpu.wait_dma2 semaphore(%run_scoped3A : memref<!tpu.dma_semaphore, #tpu.memory_space<semaphore_mem>>) src(%dma_wait3A_109 : memref<128x64xf32, #tpu.memory_space<vmem>>) dst(%dma_wait3A_106 : memref<128x64xf32, #tpu.memory_space<hbm>>)
      tpu.yield
    }) : () -> ()
    return
  }
}

</mosaic_0001>

<sc_bundles>
// kernel: kernel.3.cloned.1.call-start
scs
__scs_entry_jumppad:
0x0: {  	(pc) =	sbr.rel $0x88, $3  }
0x1: {  	(tag) =	ssettag $0x0;
	lr =	simm.s32 $0x1  }
0x2: {  	[smem:$0x3F9F] =	sst lr;
	_ =	strace $0xD0000000  }
0x3: {  	_ = 	snop  }
0x4: {  	_ = 	snop  }
0x5: {  	_ = 	snop  }
0x6: {  	_ = 	snop  }
0x7: {  	_ = 	snop  }
__scs_overlays_trampoline_lowered:
0x8: {  	[smem:$0x3FAE] =	sst s0  }
0x9: {  	[smem:$0x3FAF] =	sst s1  }
0xa: {  	[smem:$0x3FB0] =	sst s2  }
0xb: {  	[smem:$0x3FB1] =	sst s3  }
0xc: {  	[smem:$0x3FB2] =	sst s4  }
0xd: {  	[smem:$0x3FB3] =	sst s5  }
0xe: {  	[smem:$0x3FB4] =	sst s6  }
0xf: {  	[smem:$0x3FB5] =	sst s7  }
0x10: {  	[smem:$0x3FB6] =	sst s8  }
0x11: {  	[smem:$0x3FB7] =	sst s9;
	s0 =	simm.s32 @!p0 $0x0  }
0x12: {  	s1 =	sld [smem:$0x3F9D];
	s0 =	simm.s32 @p0 $0x1  }
0x13: {  	[smem:$0x3FB8] =	sst s0;
	s0 =	simm.s32 @!p1 $0x0  }
0x14: {  	s2 =	sld [smem:$0x3F9C];
	s0 =	simm.s32 @p1 $0x1  }
0x15: {  	[smem:$0x3FB9] =	sst s0;
	s0 =	simm.s32 @!p2 $0x0  }
0x16: {  	s3 =	sld [smem:$0x3FDB];
	s0 =	simm.s32 @p2 $0x1  }
0x17: {  	s4 =	simm.s32 $0x1BF5;
	[smem:$0x3FBB] =	sst s0  }
0x18: {  	s0 =	sld [smem:$0x3F9E];
	_ =	swait.ge [sflag:s4], $0x0  }
0x19: {  	s7 =	sld [smem:$0x3F9F]  }
0x1a: {  	s8 =	sadd.s32 $0xFFFFE003, lr  }
0x1b: {  	s9 =	sadd.s32 $0xFFFFFEF7, lr;
	s5 =	simm.s32 $0xFFFFFFFF;
	p2 =	slt.u32 s8, $0xFFFFF086  }
0x1c: {  	p1 =	slt.u32 s9, $0xF7A;
	s5 =	simm.s32 @!p2 $0x0  }
0x1d: {  	s5 =	simm.s32 @p1 $0x1;
	p0 =	seq.s32 s7, s2  }
0x1e: {  	s7 =	smul.u32 @!p0 $0xF7A, s2;
	p2 =	seq.s32 @!p0 s5, $0x0  }
0x1f: {  	s9 =	smul.u32 $0xF7A, s1;
	s8 =	simm.s32 @!p0 $0x1BF5;
	p2 =	por !p2, p0  }
0x20: {  	[sflag:s8] =	ssyncset.s32 @!p0 $0xFFFFF086;
	s6 =	sadd.s32 @!p0 s3, s7;
	s7 =	simm.s32 @!p0 $0x108  }
0x21: {  	s3 =	sadd.s32 s3, s9;
	s6 =	sadd.s32 @!p0 $0x88, s6;
	s7 =	simm.s32 @p2 $0x1082  }
0x22: {  	[simem:s7], [sflag:s8] =	dma.local @!p0 [hbm:s6], $0xF7A  }
0x23: {  	s9 =	sor.u32 $0xD0000000, s2;
	s6 =	simm.s32 $0x108;
	_ =	swait.ge @!p0 [sflag:s8], $0x0  }
0x24: {  	s3 =	sadd.s32 $0x88, s3;
	s6 =	simm.s32 @!p1 $0x1082;
	[sflag:s4] =	ssyncset.s32 $0xFFFFF086  }
0x25: {  	[simem:s6], [sflag:s4] =	dma.local [hbm:s3], $0xF7A  }
0x26: {  	[smem:$0x3F9F] =	sst s1;
	(tag) =	ssettag s2;
	_ =	strace s9  }
0x27: {  	s1 =	sld [smem:$0x3FAF]  }
0x28: {  	s2 =	sld [smem:$0x3FB0]  }
0x29: {  	s4 =	sld [smem:$0x3FB2]  }
0x2a: {  	p0 =	seq.s32 s5, $0x0;
	s5 =	sld [smem:$0x3FB3]  }
0x2b: {  	s6 =	sld [smem:$0x3FB4]  }
0x2c: {  	s7 =	sld [smem:$0x3FB5]  }
0x2d: {  	s3 =	simm.s32 $0x108;
	s8 =	sld [smem:$0x3FB6]  }
0x2e: {  	s3 =	simm.s32 @!p0 $0x1082;
	s9 =	sld [smem:$0x3FB7]  }
0x2f: {  	lr =	sadd.s32 s0, s3;
	s0 =	sld [smem:$0x3FAE]  }
0x30: {  	s3 =	sld [smem:$0x3FB1]  }
0x31: {  	[smem:$0x3FBA] =	sst s10  }
0x32: {  	s10 =	sld [smem:$0x3FB8];
	_ =	sdelay $0x3  }
0x33: {  	p0 =	seq.s32 s10, $0x1;
	s10 =	sld [smem:$0x3FBA];
	_ =	sdelay $0x3  }
0x34: {  	[smem:$0x3FBA] =	sst s10  }
0x35: {  	s10 =	sld [smem:$0x3FB9];
	_ =	sdelay $0x3  }
0x36: {  	p1 =	seq.s32 s10, $0x1;
	s10 =	sld [smem:$0x3FBA];
	_ =	sdelay $0x3  }
0x37: {  	[smem:$0x3FBA] =	sst s10  }
0x38: {  	s10 =	sld [smem:$0x3FBB]  }
0x39: {  	_ = 	snop;
	(pc) =	sbr.ind lr, $3  }
0x3a: {  	_ = 	snop  }
0x3b: {  	_ = 	snop  }
0x3c: {  	p2 =	seq.s32 s10, $0x1;
	s10 =	sld [smem:$0x3FBA]  }
0x3d: {  	_ =	shalt  }
0x3e: {  	_ =	shalt  }
0x3f: {  	_ =	shalt  }
0x40: {  	_ =	shalt  }
0x41: {  	_ =	shalt  }
0x42: {  	_ =	shalt  }
0x43: {  	_ =	shalt  }
0x44: {  	_ =	shalt  }
0x45: {  	_ =	shalt  }
0x46: {  	_ =	shalt  }
0x47: {  	_ =	shalt  }
0x48: {  	_ =	shalt  }
0x49: {  	_ =	shalt  }
0x4a: {  	_ =	shalt  }
0x4b: {  	_ =	shalt  }
0x4c: {  	_ =	shalt  }
0x4d: {  	_ =	shalt  }
0x4e: {  	_ =	shalt  }
0x4f: {  	_ =	shalt  }
0x50: {  	_ =	shalt  }
0x51: {  	_ =	shalt  }
0x52: {  	_ =	shalt  }
0x53: {  	_ =	shalt  }
0x54: {  	_ =	shalt  }
0x55: {  	_ =	shalt  }
0x56: {  	_ =	shalt  }
0x57: {  	_ =	shalt  }
0x58: {  	_ =	shalt  }
0x59: {  	_ =	shalt  }
0x5a: {  	_ =	shalt  }
0x5b: {  	_ =	shalt  }
0x5c: {  	_ =	shalt  }
0x5d: {  	_ =	shalt  }
0x5e: {  	_ =	shalt  }
0x5f: {  	_ =	shalt  }
0x60: {  	_ =	shalt  }
0x61: {  	_ =	shalt  }
0x62: {  	_ =	shalt  }
0x63: {  	_ =	shalt  }
0x64: {  	_ =	shalt  }
0x65: {  	_ =	shalt  }
0x66: {  	_ =	shalt  }
0x67: {  	_ =	shalt  }
0x68: {  	_ =	shalt  }
0x69: {  	_ =	shalt  }
0x6a: {  	_ =	shalt  }
0x6b: {  	_ =	shalt  }
0x6c: {  	_ =	shalt  }
0x6d: {  	_ =	shalt  }
0x6e: {  	_ =	shalt  }
0x6f: {  	_ =	shalt  }
0x70: {  	_ =	shalt  }
0x71: {  	_ =	shalt  }
0x72: {  	_ =	shalt  }
0x73: {  	_ =	shalt  }
0x74: {  	_ =	shalt  }
0x75: {  	_ =	shalt  }
0x76: {  	_ =	shalt  }
0x77: {  	_ =	shalt  }
0x78: {  	_ =	shalt  }
0x79: {  	_ =	shalt  }
0x7a: {  	_ =	shalt  }
0x7b: {  	_ =	shalt  }
0x7c: {  	_ =	shalt  }
0x7d: {  	_ =	shalt  }
0x7e: {  	_ =	shalt  }
0x7f: {  	_ =	shalt  }
0x80: {  	_ =	shalt  }
0x81: {  	_ =	shalt  }
0x82: {  	_ =	shalt  }
0x83: {  	_ =	shalt  }
0x84: {  	_ =	shalt  }
0x85: {  	_ =	shalt  }
0x86: {  	_ =	shalt  }
0x87: {  	_ =	shalt  }
.Lfunc_end0:
.L_simem_size_0:
called_computation.1_lowered:
.L_overlay_start_0:
0x88: {  	s2 =	sld [smem:$0x3FD9]  }
0x89: {  	s3 =	sld [smem:$0x3FFE];
	_ =	sdelay $0x1  }
0x8a: {  	s1 =	srdreg.scid  }
0x8b: {  	s0 =	sand.u32 $0x1, s1  }
0x8c: {  	s17 =	sshll.u32 s0, $0xA;
	s2 =	sadd.s32 s3, s2  }
0x8d: {  	s2 =	sadd.s32 s2, s17  }
0x8e: {  	[smem:$0x3FC6] =	sst s2  }
0x8f: {  	_ = 	snop  }
0x90: {  	s2 =	sld [smem:$0x3FD0];
	(tm) =	ssettm $0x1  }
0x91: {  	s18 =	sld [smem:$0x3FFB];
	_ =	sdelay $0x3  }
0x92: {  	_ =	strace s18  }
0x93: {  	s3 =	sld [smem:$0x3FFC];
	_ =	sdelay $0x3  }
0x94: {  	_ =	strace s3  }
0x95: {  	s3 =	sld [smem:$0x3FFD];
	_ =	sdelay $0x3  }
0x96: {  	_ =	strace s3  }
0x97: {  	_ =	strace $0x8FFFFFFF  }
0x98: {  	s19 =	sld [smem:$0x3FDB];
	_ =	sdelay $0x1  }
0x99: {  	s4 =	simm.s32 $_scs_section_size  }
0x9a: {  	s5 =	simm.s32 $_size__tile_overlayer_lowered;
	s6 =	simm.s32 $_tile_overlayer_lowered  }
0x9b: {  	s22 =	simm.s32 $0x1BFF;
	s21 =	sshll.u32 s6, $0x1;
	s3 =	sadd.s32 s4, s19  }
0x9c: {  	s7 =	simm.s32 $0x0;
	s20 =	sshll.u32 s5, $0x1;
	s5 =	sadd.s32 s21, s3  }
0x9d: {  	[timem:s7], [sflag:s22] =	dma.local [hbm:s5], s20  }
0x9e: {  	_ =	swait.ge [sflag:s22], s20  }
0x9f: {  	s4 =	ssub.s32 $0x0, s20;
	[sflag:s22] =	ssyncset.done $0x0  }
0xa0: {  	[sflag:s22] =	ssyncadd.s32 s4;
	_ =	sdelay $0x1  }
0xa1: {  	s23 =	simm.s32 $0x1B8B  }
0xa2: {  	_ =	swait.ge [sflag:s23], $0x1  }
0xa3: {  	[sflag:s23] =	ssyncset.done $0x0  }
0xa4: {  	s25 =	simm.s32 $0x1B8E;
	s24 =	sld [smem:$0x3FFE];
	[sflag:s23] =	ssyncadd.s32 $0xFFFFFFFF  }
0xa5: {  	s26 =	simm.s32 $execute0_lowered;
	[smem:$0x3FD2] =	sst s25  }
0xa6: {  	s5 =	sshll.u32 s26, $0x1;
	_ =	strace $0x80000049;
	[dreg:$0x1] =	wrdreg $0xFFFFFFFF  }
0xa7: {  	s28 =	simm.s32 $_size_execute0_lowered;
	s3 =	sadd.s32 s3, s5;
	[dreg:$0x0] =	wrdreg $0x0  }
0xa8: {  	s5 =	sshll.u32 s28, $0x1;
	[dreg:$0x2] =	wrdreg s3  }
0xa9: {  	[dreg:$0x3] =	wrdreg s5  }
0xaa: {  	[dreg:$0x4] =	wrdreg $0xC0  }
0xab: {  	_ =	task [dreg:s7], $0x5FFFF  }
0xac: {  	[dreg:$0x1] =	wrdreg $0xFFFFFFFF  }
0xad: {  	[dreg:$0x0] =	wrdreg $0x60  }
0xae: {  	[dreg:$0x2] =	wrdreg s24  }
0xaf: {  	[dreg:$0x3] =	wrdreg s2  }
0xb0: {  	[dreg:$0x4] =	wrdreg $0x168800  }
0xb1: {  	[dreg:$0x5] =	wrdreg $0x9  }
0xb2: {  	_ =	task.clear_ibuf [dreg:s7], $0x6FFFF;
	_ =	strace $0x90000049  }
0xb3: {  	s29 =	simm.s32 $0x9;
	_ =	strace $0x8000004B  }
0xb4: {  	_ =	swait.ge [sflag:s29], $0x1  }
0xb5: {  	[sflag:s29] =	ssyncadd.s32 $0xFFFFFFFF  }
0xb6: {  	_ =	strace $0x9000004B  }
0xb7: {  	_ =	sfence  }
0xb8: {  	s30 =	sld [smem:$0x0];
	_ =	sdelay $0x2  }
0xb9: {  	s31 =	sshll.u32 s1, $0xD;
	s1 =	sshrl.u32 s1, $0x2  }
0xba: {  	s3 =	sand.u32 $0x4000, s31;
	s1 =	sadd.s32 s1, s30  }
0xbb: {  	s0 =	sor.u32 s3, s0;
	s1 =	sshll.u32 s1, $0x11  }
0xbc: {  	s0 =	sor.u32 s1, s0  }
0xbd: {  	s0 =	sadd.s32 $0x8F2B, s0  }
0xbe: {  	[sflag:s0] =	ssyncadd.remote.s32 $0x1  }
0xbf: {  	_ =	sfence.sel $0xFFFF  }
0xc0: {  	[dreg:$0x0] =	wrdreg $0xFFFFFFFF;
	(pc) =	sbr.abs _section_cstart, $3  }
0xc1: {  	[dreg:$0x1] =	wrdreg $0xFFFFFFFF  }
0xc2: {  	_ =	task.clear_ibuf [dreg:s7], $0x2FFFF;
	_ =	strace $0x9FFFFFFF  }
0xc3: {  	(tm) =	ssettm $0x7FFFFFFF  }
tec
execute0_lowered:
.L_overlay_start_1:
0x0: {  	(tag) =	ssettag $0x1  }
0x1: {  	s0 =	rddreg [dreg:$0x0]  }
0x2: {  	s1 =	srdreg.scid;
	s8 =	rddreg [dreg:$0x1]  }
0x3: {  	s2 =	rddreg [dreg:$0x2];
	s11 =	stileid.u32;
	s3 =	simm.s32 $0x0  }
0x4: {  	s12 =	simm.s32 $0x14880;
	s13 =	simm.s32 $0x80;
	s14 =	simm.s32 $0xC800  }
0x5: {  	s15 =	simm.s32 $0x3;
	s16 =	simm.s32 $0xC880;
	s17 =	simm.s32 $0xE880  }
0x6: {  	s18 =	simm.s32 $0x10880;
	s19 =	simm.s32 $0x12880;
	s20 =	simm.s32 $0x1  }
0x7: {  	s21 =	simm.s32 $0x2;
	s22 =	simm.s32 $0x6300;
	s23 =	simm.s32 $0x6380  }
0x8: {  	s24 =	simm.s32 $0xC600;
	s25 =	simm.s32 $0xC680;
	s26 =	simm.s32 $0xC700  }
0x9: {  	s28 =	simm.s32 $0xC780;
	s29 =	simm.s32 $0x0;
	s1 =	sand.u32 $0x1, s1  }
0xa: {  	[smem:$0x7FF] =	sst s3;
	s5 =	sadd.s32 $0xA00, s0;
	s4 =	sshll.u32 s1, $0x4  }
0xb: {  	s6 =	sadd.s32 $0xF5CC00, s0;
	s1 =	ssub.s32 $0x2, s1;
	s9 =	sor.u32 s11, s4  }
0xc: {  	s31 =	sshll.u32 s11, $0x7;
	s10 =	sshrl.u32 s1, $0x1;
	s4 =	smul.u32 $0xC80, s9  }
0xd: {  	_ =	strace $0x8000004A;
	s30 =	ssub.s32 s1, s10;
	s9 =	sshll.u32 s9, $0xA  }
0xe: {  	s10 =	simm.s32 $0x4;
	s8 =	sadd.s32 s8, s9;
	s7 =	sadd.s32 s4, s0  }
0xf: {  	v0 =	vmov s31;
	s9 =	smax.u32 s30, $0x1;
	s4 =	sadd.s32 $0xF5BE00, s0;
	s7 =	sadd.s32 $0xF42E00, s7  }
.LBB2_1:
0x10: {  	[tilespmem:s3], [sflag:$0x4] =	stream.linear.gather [hbm4b:s7+s3], $0x6400, $0x38;
	[tilespmem:$0x18880] =	vst v63  }
0x11: {  	_ =	swait.ge [sflag:s10], $0x6400  }
0x12: {  	[sflag:s10] =	ssyncset.done $0x0  }
0x13: {  	s0 =	simm.s32 $0x6400;
	[sflag:s10] =	ssyncadd.s32 $0xFFFF9C00  }
0x14: {  	[tilespmem:s0], [sflag:$0x4] =	stream.linear.gather [hbm4b:s4+s3], $0x6480, $0x38;
	[tilespmem:$0x18880] =	vst v63  }
0x15: {  	_ =	swait.ge [sflag:s10], $0x6480  }
0x16: {  	[sflag:s10] =	ssyncset.done $0x0  }
0x17: {  	[sflag:s10] =	ssyncadd.s32 $0xFFFF9B80  }
0x18: {  	[tilespmem:s12], [sflag:$0x4] =	stream.linear.gather [hbm4b:s5+s3], $0x2000, $0x38;
	[tilespmem:$0x18880] =	vst v63  }
0x19: {  	_ =	swait.ge [sflag:s10], $0x2000  }
0x1a: {  	[sflag:s10] =	ssyncset.done $0x0  }
0x1b: {  	s0 =	simm.s32 $0x0;
	[sflag:s10] =	ssyncadd.s32 $0xFFFFE000  }
0x1c: {  	v3 =	vld [tilespmem:s0+$0x6400]  }
0x1d: {  	v5 =	vld [tilespmem:s0+$0x6410]  }
0x1e: {  	v4 =	vld [tilespmem:s0+$0x6420]  }
0x1f: {  	v2 =	vld [tilespmem:s0+$0x6430]  }
0x20: {  	v1 =	vld [tilespmem:s0+$0x6440]  }
0x21: {  	v6 =	vadd.s32 v0, v3;
	v3 =	vld [tilespmem:s0+$0x6450]  }
0x22: {  	s30 =	simm.s32 $0x200;
	[tilespmem:s0+$0x6400] =	vst v6;
	v6 =	vadd.s32 v0, v5;
	v5 =	vld [tilespmem:s0+$0x6460]  }
.LBB2_2:
0x23: {  	s1 =	sshra.s32 s30, $0x2;
	p0 =	sne.s32 s30, $0x19000;
	[tilespmem:s0+$0x6410] =	vst v6;
	v4 =	vadd.s32 v0, v4;
	v6 =	vld [tilespmem:s0+$0x6470]  }
0x24: {  	v7 =	vld [tilespmem:s1+$0x6400];
	[tilespmem:s0+$0x6420] =	vst v4;
	v2 =	vadd.s32 v0, v2  }
0x25: {  	v8 =	vld [tilespmem:s1+$0x6410];
	[tilespmem:s0+$0x6430] =	vst v2;
	v1 =	vadd.s32 v0, v1  }
.Ltmp0:
0x26: {  	v4 =	vld [tilespmem:s1+$0x6420];
	[tilespmem:s0+$0x6440] =	vst v1;
	v1 =	vadd.s32 v0, v3;
	(pc) =	sbr.rel @p0 .LBB2_2-.Ltmp0, $4  }
0x27: {  	v2 =	vld [tilespmem:s1+$0x6430];
	[tilespmem:s0+$0x6450] =	vst v1;
	v3 =	vadd.s32 v0, v5  }
0x28: {  	v1 =	vld [tilespmem:s1+$0x6440];
	[tilespmem:s0+$0x6460] =	vst v3;
	v5 =	vadd.s32 v0, v6  }
0x29: {  	v6 =	vadd.s32 v0, v7;
	v3 =	vld [tilespmem:s1+$0x6450];
	[tilespmem:s0+$0x6470] =	vst v5;
	s0 =	smov.u32 s1  }
0x2a: {  	s30 =	sadd.s32 $0x200, s30;
	[tilespmem:s0+$0x6400] =	vst v6;
	v6 =	vadd.s32 v0, v8;
	v5 =	vld [tilespmem:s0+$0x6460]  }
0x2b: {  	[tilespmem:s0+$0x6410] =	vst v6;
	v4 =	vadd.s32 v0, v4;
	v63 =	vld [tilespmem:s0+$0x6470]  }
0x2c: {  	[tilespmem:s0+$0x6420] =	vst v4;
	v2 =	vadd.s32 v0, v2  }
0x2d: {  	[tilespmem:s0+$0x6430] =	vst v2;
	v1 =	vadd.s32 v0, v1  }
0x2e: {  	[tilespmem:s0+$0x6440] =	vst v1;
	v1 =	vadd.s32 v0, v3  }
0x2f: {  	[tilespmem:s0+$0x6450] =	vst v1;
	v1 =	vadd.s32 v0, v5  }
0x30: {  	[tilespmem:s0+$0x6460] =	vst v1;
	v1 =	vadd.s32 v0, v63  }
0x31: {  	[tilespmem:s0+$0x6470] =	vst v1  }
0x32: {  	[spmem:s2] =	stream.indirect.scatter [tilespmem:s12], [sflag:$0x3], $0x40, s14, s13, $0xb8;
	[tilespmem:$0x18880] =	vst v63  }
0x33: {  	_ =	swait.ge [sflag:s15], $0x2000  }
0x34: {  	[sflag:s15] =	ssyncset.done $0x0  }
0x35: {  	s11 =	simm.s32 $0x0;
	[sflag:s15] =	ssyncadd.s32 $0xFFFFE000  }
0x36: {  	[tilespmem:s16], [sflag:$0x1] =	stream.indirect.gather [hbm4b:s6+s13], $0x40, s11, s13, $0xb8;
	[tilespmem:$0x18880] =	vst v63  }
0x37: {  	_ = 	snop  }
0x38: {  	[tilespmem:s17], [sflag:$0x1] =	stream.indirect.gather [hbm4b:s6+s13], $0x40, s13, s13, $0xb8;
	[tilespmem:$0x18880] =	vst v63  }
0x39: {  	s1 =	simm.s32 $0x100  }
0x3a: {  	[tilespmem:s18], [sflag:$0x2] =	stream.indirect.gather [hbm4b:s6+s13], $0x40, s1, s13, $0xb8;
	[tilespmem:$0x18880] =	vst v63  }
0x3b: {  	s11 =	simm.s32 $0x180  }
0x3c: {  	[tilespmem:s19], [sflag:$0x2] =	stream.indirect.gather [hbm4b:s6+s13], $0x40, s11, s13, $0xb8;
	[tilespmem:$0x18880] =	vst v63  }
0x3d: {  	_ =	swait.ge [sflag:s20], $0x2000  }
0x3e: {  	[sflag:s20] =	ssyncset.done $0x0  }
0x3f: {  	[sflag:s20] =	ssyncadd.s32 $0xFFFFE000  }
0x40: {  	_ =	swait.ge [sflag:s20], $0x2000  }
0x41: {  	[sflag:s20] =	ssyncset.done $0x0  }
0x42: {  	s1 =	simm.s32 $0x6400;
	[sflag:s20] =	ssyncadd.s32 $0xFFFFE000  }
0x43: {  	[spmem:s2] =	stream.indirect.scatter.add.f32 [tilespmem:s16], [sflag:$0x3], $0x40, s1, s13, $0xb8;
	[tilespmem:$0x18880] =	vst v63  }
0x44: {  	s11 =	simm.s32 $0x6480  }
0x45: {  	[spmem:s2] =	stream.indirect.scatter.add.f32 [tilespmem:s17], [sflag:$0x3], $0x40, s11, s13, $0xb8;
	[tilespmem:$0x18880] =	vst v63  }
0x46: {  	_ =	swait.ge [sflag:s15], $0x2000  }
0x47: {  	[sflag:s15] =	ssyncset.done $0x0  }
0x48: {  	[sflag:s15] =	ssyncadd.s32 $0xFFFFE000  }
0x49: {  	_ =	swait.ge [sflag:s15], $0x2000  }
0x4a: {  	[sflag:s15] =	ssyncset.done $0x0  }
0x4b: {  	s1 =	simm.s32 $0x200;
	[sflag:s15] =	ssyncadd.s32 $0xFFFFE000  }
0x4c: {  	[tilespmem:s16], [sflag:$0x1] =	stream.indirect.gather [hbm4b:s6+s13], $0x40, s1, s13, $0xb8;
	[tilespmem:$0x18880] =	vst v63  }
0x4d: {  	s11 =	simm.s32 $0x280  }
0x4e: {  	[tilespmem:s17], [sflag:$0x1] =	stream.indirect.gather [hbm4b:s6+s13], $0x40, s11, s13, $0xb8;
	[tilespmem:$0x18880] =	vst v63  }
0x4f: {  	_ =	swait.ge [sflag:s21], $0x2000  }
0x50: {  	[sflag:s21] =	ssyncset.done $0x0  }
0x51: {  	[sflag:s21] =	ssyncadd.s32 $0xFFFFE000  }
0x52: {  	_ =	swait.ge [sflag:s21], $0x2000  }
0x53: {  	[sflag:s21] =	ssyncset.done $0x0  }
0x54: {  	s1 =	simm.s32 $0x6500;
	[sflag:s21] =	ssyncadd.s32 $0xFFFFE000  }
0x55: {  	[spmem:s2] =	stream.indirect.scatter.add.f32 [tilespmem:s18], [sflag:$0x3], $0x40, s1, s13, $0xb8;
	[tilespmem:$0x18880] =	vst v63  }
0x56: {  	s11 =	simm.s32 $0x6580  }
0x57: {  	[spmem:s2] =	stream.indirect.scatter.add.f32 [tilespmem:s19], [sflag:$0x3], $0x40, s11, s13, $0xb8;
	[tilespmem:$0x18880] =	vst v63  }
0x58: {  	_ =	swait.ge [sflag:s15], $0x2000  }
0x59: {  	[sflag:s15] =	ssyncset.done $0x0  }
0x5a: {  	[sflag:s15] =	ssyncadd.s32 $0xFFFFE000  }
0x5b: {  	_ =	swait.ge [sflag:s15], $0x2000  }
0x5c: {  	s31 =	simm.s32 $0x1000;
	s30 =	simm.s32 $0x200;
	[sflag:s15] =	ssyncset.done $0x0  }
.LBB2_4:
0x5d: {  	s11 =	sadd.s32 $0x100, s30  }
0x5e: {  	[sflag:s15] =	ssyncadd.s32 $0xFFFFE000;
	s0 =	smov.u32 s31;
	s1 =	sadd.s32 $0x800, s31  }
0x5f: {  	[tilespmem:s18], [sflag:$0x2] =	stream.indirect.gather [hbm4b:s6+s13], $0x40, s11, s13, $0xb8;
	[tilespmem:$0x18880] =	vst v63  }
0x60: {  	p0 =	sne.s32 s31, $0x18000;
	s11 =	sadd.s32 $0x180, s30  }
0x61: {  	[tilespmem:s19], [sflag:$0x2] =	stream.indirect.gather [hbm4b:s6+s13], $0x40, s11, s13, $0xb8;
	[tilespmem:$0x18880] =	vst v63  }
0x62: {  	_ =	swait.ge [sflag:s20], $0x2000  }
0x63: {  	[sflag:s20] =	ssyncset.done $0x0  }
0x64: {  	[sflag:s20] =	ssyncadd.s32 $0xFFFFE000  }
0x65: {  	_ =	swait.ge [sflag:s20], $0x2000  }
0x66: {  	[sflag:s20] =	ssyncset.done $0x0  }
0x67: {  	s11 =	sadd.s32 $0x6400, s30;
	[sflag:s20] =	ssyncadd.s32 $0xFFFFE000  }
0x68: {  	[spmem:s2] =	stream.indirect.scatter.add.f32 [tilespmem:s16], [sflag:$0x3], $0x40, s11, s13, $0xb8;
	[tilespmem:$0x18880] =	vst v63  }
0x69: {  	s11 =	sadd.s32 $0x6480, s30  }
0x6a: {  	[spmem:s2] =	stream.indirect.scatter.add.f32 [tilespmem:s17], [sflag:$0x3], $0x40, s11, s13, $0xb8;
	[tilespmem:$0x18880] =	vst v63  }
0x6b: {  	_ =	swait.ge [sflag:s15], $0x2000  }
0x6c: {  	[sflag:s15] =	ssyncset.done $0x0  }
0x6d: {  	[sflag:s15] =	ssyncadd.s32 $0xFFFFE000  }
0x6e: {  	_ =	swait.ge [sflag:s15], $0x2000  }
0x6f: {  	[sflag:s15] =	ssyncset.done $0x0  }
0x70: {  	s11 =	sadd.s32 $0x200, s30;
	[sflag:s15] =	ssyncadd.s32 $0xFFFFE000  }
0x71: {  	[tilespmem:s16], [sflag:$0x1] =	stream.indirect.gather [hbm4b:s6+s13], $0x40, s11, s13, $0xb8;
	[tilespmem:$0x18880] =	vst v63  }
0x72: {  	s11 =	sadd.s32 $0x280, s30  }
0x73: {  	[tilespmem:s17], [sflag:$0x1] =	stream.indirect.gather [hbm4b:s6+s13], $0x40, s11, s13, $0xb8;
	[tilespmem:$0x18880] =	vst v63  }
0x74: {  	_ =	swait.ge [sflag:s21], $0x2000  }
0x75: {  	[sflag:s21] =	ssyncset.done $0x0  }
0x76: {  	[sflag:s21] =	ssyncadd.s32 $0xFFFFE000  }
0x77: {  	_ =	swait.ge [sflag:s21], $0x2000  }
0x78: {  	[sflag:s21] =	ssyncset.done $0x0  }
0x79: {  	s11 =	sadd.s32 $0x6500, s30;
	[sflag:s21] =	ssyncadd.s32 $0xFFFFE000  }
0x7a: {  	[spmem:s2] =	stream.indirect.scatter.add.f32 [tilespmem:s18], [sflag:$0x3], $0x40, s11, s13, $0xb8;
	[tilespmem:$0x18880] =	vst v63  }
0x7b: {  	s11 =	sadd.s32 $0x6580, s30  }
0x7c: {  	[spmem:s2] =	stream.indirect.scatter.add.f32 [tilespmem:s19], [sflag:$0x3], $0x40, s11, s13, $0xb8;
	[tilespmem:$0x18880] =	vst v63  }
.Ltmp1:
0x7d: {  	_ =	swait.ge [sflag:s15], $0x2000;
	(pc) =	sbr.rel @p0 .LBB2_4-.Ltmp1, $4  }
0x7e: {  	[sflag:s15] =	ssyncset.done $0x0  }
0x7f: {  	[sflag:s15] =	ssyncadd.s32 $0xFFFFE000  }
0x80: {  	_ =	swait.ge [sflag:s15], $0x2000  }
0x81: {  	s31 =	smov.u32 s1;
	s30 =	sshra.s32 s0, $0x2;
	[sflag:s15] =	ssyncset.done $0x0  }
0x82: {  	s0 =	sadd.s32 $0x100, s30;
	[sflag:s15] =	ssyncadd.s32 $0xFFFFE000  }
0x83: {  	[tilespmem:s18], [sflag:$0x2] =	stream.indirect.gather [hbm4b:s6+s13], $0x40, s0, s13, $0xb8;
	[tilespmem:$0x18880] =	vst v63  }
0x84: {  	s1 =	sadd.s32 $0x180, s30  }
0x85: {  	[tilespmem:s19], [sflag:$0x2] =	stream.indirect.gather [hbm4b:s6+s13], $0x40, s1, s13, $0xb8;
	[tilespmem:$0x18880] =	vst v63  }
0x86: {  	_ =	swait.ge [sflag:s20], $0x2000  }
0x87: {  	[sflag:s20] =	ssyncset.done $0x0  }
0x88: {  	[sflag:s20] =	ssyncadd.s32 $0xFFFFE000  }
0x89: {  	_ =	swait.ge [sflag:s20], $0x2000  }
0x8a: {  	[sflag:s20] =	ssyncset.done $0x0  }
0x8b: {  	s11 =	sadd.s32 $0x6400, s30;
	[sflag:s20] =	ssyncadd.s32 $0xFFFFE000  }
0x8c: {  	[spmem:s2] =	stream.indirect.scatter.add.f32 [tilespmem:s16], [sflag:$0x3], $0x40, s11, s13, $0xb8;
	[tilespmem:$0x18880] =	vst v63  }
0x8d: {  	s1 =	sadd.s32 $0x6480, s30  }
0x8e: {  	[spmem:s2] =	stream.indirect.scatter.add.f32 [tilespmem:s17], [sflag:$0x3], $0x40, s1, s13, $0xb8;
	[tilespmem:$0x18880] =	vst v63  }
0x8f: {  	_ =	swait.ge [sflag:s15], $0x2000  }
0x90: {  	[sflag:s15] =	ssyncset.done $0x0  }
0x91: {  	[sflag:s15] =	ssyncadd.s32 $0xFFFFE000  }
0x92: {  	_ =	swait.ge [sflag:s15], $0x2000  }
0x93: {  	[sflag:s15] =	ssyncset.done $0x0  }
0x94: {  	s11 =	sadd.s32 $0x200, s30;
	[sflag:s15] =	ssyncadd.s32 $0xFFFFE000  }
0x95: {  	[tilespmem:s16], [sflag:$0x1] =	stream.indirect.gather [hbm4b:s6+s13], $0x40, s11, s13, $0xb8;
	[tilespmem:$0x18880] =	vst v63  }
0x96: {  	s1 =	sadd.s32 $0x280, s30  }
0x97: {  	[tilespmem:s17], [sflag:$0x1] =	stream.indirect.gather [hbm4b:s6+s13], $0x40, s1, s13, $0xb8;
	[tilespmem:$0x18880] =	vst v63  }
0x98: {  	_ =	swait.ge [sflag:s21], $0x2000  }
0x99: {  	[sflag:s21] =	ssyncset.done $0x0  }
0x9a: {  	[sflag:s21] =	ssyncadd.s32 $0xFFFFE000  }
0x9b: {  	_ =	swait.ge [sflag:s21], $0x2000  }
0x9c: {  	[sflag:s21] =	ssyncset.done $0x0  }
0x9d: {  	s11 =	sadd.s32 $0x6500, s30;
	[sflag:s21] =	ssyncadd.s32 $0xFFFFE000  }
0x9e: {  	[spmem:s2] =	stream.indirect.scatter.add.f32 [tilespmem:s18], [sflag:$0x3], $0x40, s11, s13, $0xb8;
	[tilespmem:$0x18880] =	vst v63  }
0x9f: {  	s1 =	sadd.s32 $0x6580, s30  }
0xa0: {  	[spmem:s2] =	stream.indirect.scatter.add.f32 [tilespmem:s19], [sflag:$0x3], $0x40, s1, s13, $0xb8;
	[tilespmem:$0x18880] =	vst v63  }
0xa1: {  	_ =	swait.ge [sflag:s15], $0x2000  }
0xa2: {  	[sflag:s15] =	ssyncset.done $0x0  }
0xa3: {  	[sflag:s15] =	ssyncadd.s32 $0xFFFFE000  }
0xa4: {  	_ =	swait.ge [sflag:s15], $0x2000  }
0xa5: {  	[sflag:s15] =	ssyncset.done $0x0  }
0xa6: {  	[sflag:s15] =	ssyncadd.s32 $0xFFFFE000  }
0xa7: {  	[tilespmem:s18], [sflag:$0x2] =	stream.indirect.gather [hbm4b:s6+s13], $0x40, s22, s13, $0xb8;
	[tilespmem:$0x18880] =	vst v63  }
0xa8: {  	_ = 	snop  }
0xa9: {  	[tilespmem:s19], [sflag:$0x2] =	stream.indirect.gather [hbm4b:s6+s13], $0x40, s23, s13, $0xb8;
	[tilespmem:$0x18880] =	vst v63  }
0xaa: {  	_ =	swait.ge [sflag:s20], $0x2000  }
0xab: {  	[sflag:s20] =	ssyncset.done $0x0  }
0xac: {  	[sflag:s20] =	ssyncadd.s32 $0xFFFFE000  }
0xad: {  	_ =	swait.ge [sflag:s20], $0x2000  }
0xae: {  	[sflag:s20] =	ssyncset.done $0x0  }
0xaf: {  	[sflag:s20] =	ssyncadd.s32 $0xFFFFE000  }
0xb0: {  	[spmem:s2] =	stream.indirect.scatter.add.f32 [tilespmem:s16], [sflag:$0x3], $0x40, s24, s13, $0xb8;
	[tilespmem:$0x18880] =	vst v63  }
0xb1: {  	_ = 	snop  }
0xb2: {  	[spmem:s2] =	stream.indirect.scatter.add.f32 [tilespmem:s17], [sflag:$0x3], $0x40, s25, s13, $0xb8;
	[tilespmem:$0x18880] =	vst v63  }
0xb3: {  	_ =	swait.ge [sflag:s15], $0x2000  }
0xb4: {  	[sflag:s15] =	ssyncset.done $0x0  }
0xb5: {  	[sflag:s15] =	ssyncadd.s32 $0xFFFFE000  }
0xb6: {  	_ =	swait.ge [sflag:s15], $0x2000  }
0xb7: {  	[sflag:s15] =	ssyncset.done $0x0  }
0xb8: {  	[sflag:s15] =	ssyncadd.s32 $0xFFFFE000  }
0xb9: {  	_ =	swait.ge [sflag:s21], $0x2000  }
0xba: {  	[sflag:s21] =	ssyncset.done $0x0  }
0xbb: {  	[sflag:s21] =	ssyncadd.s32 $0xFFFFE000  }
0xbc: {  	_ =	swait.ge [sflag:s21], $0x2000  }
0xbd: {  	[sflag:s21] =	ssyncset.done $0x0  }
0xbe: {  	[sflag:s21] =	ssyncadd.s32 $0xFFFFE000  }
0xbf: {  	[spmem:s2] =	stream.indirect.scatter.add.f32 [tilespmem:s18], [sflag:$0x3], $0x40, s26, s13, $0xb8;
	[tilespmem:$0x18880] =	vst v63  }
0xc0: {  	_ = 	snop  }
0xc1: {  	[spmem:s2] =	stream.indirect.scatter.add.f32 [tilespmem:s19], [sflag:$0x3], $0x40, s28, s13, $0xb8;
	[tilespmem:$0x18880] =	vst v63  }
0xc2: {  	_ =	swait.ge [sflag:s15], $0x2000  }
0xc3: {  	[sflag:s15] =	ssyncset.done $0x0  }
0xc4: {  	[sflag:s15] =	ssyncadd.s32 $0xFFFFE000  }
0xc5: {  	_ =	swait.ge [sflag:s15], $0x2000  }
0xc6: {  	[sflag:s15] =	ssyncset.done $0x0  }
0xc7: {  	[sflag:s15] =	ssyncadd.s32 $0xFFFFE000  }
0xc8: {  	[spmem:s2] =	stream.indirect.scatter.add.f32 [tilespmem:s12], [sflag:$0x3], $0x40, s14, s13, $0xb8;
	[tilespmem:$0x18880] =	vst v63  }
0xc9: {  	_ =	swait.ge [sflag:s15], $0x2000  }
0xca: {  	[sflag:s15] =	ssyncset.done $0x0  }
0xcb: {  	[sflag:s15] =	ssyncadd.s32 $0xFFFFE000  }
0xcc: {  	[tilespmem:s16], [sflag:$0x1] =	stream.indirect.gather [spmem:s2], $0x40, s14, s13, $0xb8;
	[tilespmem:$0x18880] =	vst v63  }
0xcd: {  	_ =	swait.ge [sflag:s20], $0x2000  }
0xce: {  	[sflag:s20] =	ssyncset.done $0x0  }
0xcf: {  	s30 =	simm.s32 $0x0;
	[sflag:s20] =	ssyncadd.s32 $0xFFFFE000  }
0xd0: {  	v1 =	vld [tilespmem:s30+$0xC890]  }
0xd1: {  	v2 =	vld [tilespmem:s30+$0xC880];
	_ =	sdelay $0x1  }
0xd2: {  	v3 =	vld [tilespmem:s30+$0xC8A0];
	_ =	sdelay $0x1  }
0xd3: {  	v4 =	vld [tilespmem:s30+$0xC8B0]  }
0xd4: {  	v5 =	vmul.f32 v2, v2;
	v6 =	vmul.f32 v1, v1;
	_ =	sdelay $0x1  }
0xd5: {  	v62 =	vmul.f32 v3, v3;
	v5 =	vadd.f32 v6, v5;
	_ =	sdelay $0x1  }
0xd6: {  	v63 =	vmul.f32 v4, v4;
	v5 =	vadd.f32 v62, v5;
	_ =	sdelay $0x1  }
0xd7: {  	v5 =	vadd.f32 v63, v5;
	_ =	sdelay $0x1  }
0xd8: {  	(xrf2) =	vadd.scan.msk.f32 $0xffff, v5;
	_ =	sdelay $0x9  }
0xd9: {  	v5, _, _ =	vpop (xrf2)  }
0xda: {  	(v2sf) =	vpush v5, $0xF;
	_ =	sdelay $0xe  }
0xdb: {  	s11 =	spop (v2sf)  }
0xdc: {  	s0 =	smax.f32 s11, $3.999999870e-20  }
0xdd: {  	s1 =	sshrl.u32 s0, $0x1;
	s0 =	smul.f32 $5.000000000e-01, s0  }
0xde: {  	s1 =	ssub.s32 $0x5F3759DF, s1  }
0xdf: {  	s11 =	smul.f32 s1, s0;
	_ =	sdelay $0x1  }
0xe0: {  	s11 =	smul.f32 s1, s11;
	_ =	sdelay $0x1  }
0xe1: {  	s11 =	ssub.f32 $1.500000000e+00, s11;
	_ =	sdelay $0x1  }
0xe2: {  	s1 =	smul.f32 s1, s11;
	_ =	sdelay $0x1  }
0xe3: {  	s11 =	smul.f32 s1, s0;
	_ =	sdelay $0x1  }
0xe4: {  	s11 =	smul.f32 s11, s1;
	_ =	sdelay $0x1  }
0xe5: {  	s11 =	ssub.f32 $1.500000000e+00, s11;
	_ =	sdelay $0x1  }
0xe6: {  	s1 =	smul.f32 s11, s1;
	_ =	sdelay $0x1  }
0xe7: {  	s0 =	smul.f32 s1, s0;
	_ =	sdelay $0x1  }
0xe8: {  	s0 =	smul.f32 s0, s1;
	_ =	sdelay $0x1  }
0xe9: {  	s0 =	ssub.f32 $1.500000000e+00, s0;
	_ =	sdelay $0x1  }
0xea: {  	s1 =	smul.f32 s0, s1;
	_ =	sdelay $0x1  }
0xeb: {  	v2 =	vmul.f32 s1, v2  }
0xec: {  	v1 =	vmul.f32 s1, v1  }
0xed: {  	v3 =	vmul.f32 s1, v3;
	[tilespmem:s30+$0xC880] =	vst v2  }
0xee: {  	s0 =	simm.s32 $0x40;
	[tilespmem:s30+$0xC890] =	vst v1;
	v2 =	vmul.f32 s1, v4  }
0xef: {  	s31 =	simm.s32 $0x200;
	v1 =	vld [tilespmem:s0+$0xC890];
	[tilespmem:s30+$0xC8A0] =	vst v3  }
.LBB2_6:
0xf0: {  	p0 =	sne.s32 s31, $0x7F00;
	v3 =	vld [tilespmem:s0+$0xC880];
	[tilespmem:s30+$0xC8B0] =	vst v2;
	s30 =	smov.u32 s0;
	_ =	sdelay $0x1  }
0xf1: {  	v2 =	vld [tilespmem:s30+$0xC8A0];
	_ =	sdelay $0x1  }
0xf2: {  	v4 =	vld [tilespmem:s30+$0xC8B0]  }
0xf3: {  	v6 =	vmul.f32 v1, v1;
	v5 =	vmul.f32 v3, v3;
	_ =	sdelay $0x1  }
0xf4: {  	v5 =	vadd.f32 v6, v5;
	v6 =	vmul.f32 v2, v2;
	_ =	sdelay $0x1  }
0xf5: {  	v5 =	vadd.f32 v6, v5;
	v6 =	vmul.f32 v4, v4;
	_ =	sdelay $0x1  }
0xf6: {  	v5 =	vadd.f32 v6, v5;
	_ =	sdelay $0x1  }
0xf7: {  	(xrf2) =	vadd.scan.msk.f32 $0xffff, v5;
	_ =	sdelay $0x9  }
0xf8: {  	v5, _, _ =	vpop (xrf2)  }
0xf9: {  	(v2sf) =	vpush v5, $0xF;
	_ =	sdelay $0xe  }
0xfa: {  	s0 =	spop (v2sf)  }
0xfb: {  	s0 =	smax.f32 s0, $3.999999870e-20  }
0xfc: {  	s1 =	sshrl.u32 s0, $0x1;
	s0 =	smul.f32 $5.000000000e-01, s0  }
0xfd: {  	s1 =	ssub.s32 $0x5F3759DF, s1  }
0xfe: {  	s11 =	smul.f32 s1, s0;
	_ =	sdelay $0x1  }
0xff: {  	s11 =	smul.f32 s1, s11;
	_ =	sdelay $0x1  }
0x100: {  	s11 =	ssub.f32 $1.500000000e+00, s11;
	_ =	sdelay $0x1  }
0x101: {  	s1 =	smul.f32 s1, s11;
	_ =	sdelay $0x1  }
0x102: {  	s11 =	smul.f32 s1, s0;
	_ =	sdelay $0x1  }
0x103: {  	s11 =	smul.f32 s11, s1;
	_ =	sdelay $0x1  }
0x104: {  	s11 =	ssub.f32 $1.500000000e+00, s11;
	_ =	sdelay $0x1  }
0x105: {  	s1 =	smul.f32 s11, s1;
	_ =	sdelay $0x1  }
0x106: {  	s0 =	smul.f32 s1, s0;
	_ =	sdelay $0x1  }
0x107: {  	s0 =	smul.f32 s0, s1;
	_ =	sdelay $0x1  }
0x108: {  	s0 =	ssub.f32 $1.500000000e+00, s0;
	_ =	sdelay $0x1  }
0x109: {  	s0 =	smul.f32 s0, s1;
	_ =	sdelay $0x1  }
.Ltmp2:
0x10a: {  	v3 =	vmul.f32 s0, v3;
	v1 =	vmul.f32 s0, v1;
	(pc) =	sbr.rel @p0 .LBB2_6-.Ltmp2, $4  }
0x10b: {  	v5 =	vmul.f32 s0, v2;
	v2 =	vmul.f32 s0, v4  }
0x10c: {  	[tilespmem:s30+$0xC880] =	vst v3  }
0x10d: {  	s0 =	sshra.s32 s31, $0x2;
	[tilespmem:s30+$0xC890] =	vst v1  }
0x10e: {  	s31 =	sadd.s32 $0x100, s31;
	v1 =	vld [tilespmem:s0+$0xC890];
	[tilespmem:s30+$0xC8A0] =	vst v5  }
0x10f: {  	v3 =	vld [tilespmem:s0+$0xC880]  }
0x110: {  	[tilespmem:s30+$0xC8B0] =	vst v2  }
0x111: {  	v2 =	vld [tilespmem:s0+$0xC8A0];
	_ =	sdelay $0x1  }
0x112: {  	v4 =	vld [tilespmem:s0+$0xC8B0]  }
0x113: {  	v6 =	vmul.f32 v1, v1;
	v5 =	vmul.f32 v3, v3;
	_ =	sdelay $0x1  }
0x114: {  	v62 =	vmul.f32 v2, v2;
	v5 =	vadd.f32 v6, v5;
	_ =	sdelay $0x1  }
0x115: {  	v63 =	vmul.f32 v4, v4;
	v5 =	vadd.f32 v62, v5;
	_ =	sdelay $0x1  }
0x116: {  	v5 =	vadd.f32 v63, v5;
	_ =	sdelay $0x1  }
0x117: {  	(xrf2) =	vadd.scan.msk.f32 $0xffff, v5;
	_ =	sdelay $0x9  }
0x118: {  	v5, _, _ =	vpop (xrf2)  }
0x119: {  	(v2sf) =	vpush v5, $0xF;
	_ =	sdelay $0xe  }
0x11a: {  	s1 =	spop (v2sf)  }
0x11b: {  	s1 =	smax.f32 s1, $3.999999870e-20  }
0x11c: {  	s11 =	sshrl.u32 s1, $0x1;
	s1 =	smul.f32 $5.000000000e-01, s1  }
0x11d: {  	s11 =	ssub.s32 $0x5F3759DF, s11  }
0x11e: {  	s31 =	smul.f32 s11, s1;
	_ =	sdelay $0x1  }
0x11f: {  	s30 =	smul.f32 s11, s31;
	_ =	sdelay $0x1  }
0x120: {  	s30 =	ssub.f32 $1.500000000e+00, s30;
	_ =	sdelay $0x1  }
0x121: {  	s11 =	smul.f32 s11, s30;
	_ =	sdelay $0x1  }
0x122: {  	s30 =	smul.f32 s11, s1;
	_ =	sdelay $0x1  }
0x123: {  	s30 =	smul.f32 s30, s11;
	_ =	sdelay $0x1  }
0x124: {  	s30 =	ssub.f32 $1.500000000e+00, s30;
	_ =	sdelay $0x1  }
0x125: {  	s11 =	smul.f32 s30, s11;
	_ =	sdelay $0x1  }
0x126: {  	s1 =	smul.f32 s11, s1;
	_ =	sdelay $0x1  }
0x127: {  	s1 =	smul.f32 s1, s11;
	_ =	sdelay $0x1  }
0x128: {  	s1 =	ssub.f32 $1.500000000e+00, s1;
	_ =	sdelay $0x1  }
0x129: {  	s1 =	smul.f32 s1, s11;
	_ =	sdelay $0x1  }
0x12a: {  	v3 =	vmul.f32 s1, v3  }
0x12b: {  	v1 =	vmul.f32 s1, v1  }
0x12c: {  	v2 =	vmul.f32 s1, v2;
	[tilespmem:s0+$0xC880] =	vst v3  }
0x12d: {  	s29 =	sadd.s32 $0x1, s29;
	v3 =	vmul.f32 s1, v4;
	[tilespmem:s0+$0xC890] =	vst v1  }
0x12e: {  	p0 =	sne.s32 s29, s9;
	[tilespmem:s0+$0xC8A0] =	vst v2  }
.Ltmp3:
0x12f: {  	[tilespmem:s0+$0xC8B0] =	vst v3;
	(pc) =	sbr.rel @p0 .LBB2_1-.Ltmp3, $4  }
0x130: {  	[hbm4b:s8+s3] =	stream.linear.scatter [tilespmem:s16], [sflag:$0x4], $0x2000, $0x38;
	[tilespmem:$0x18880] =	vst v63  }
0x131: {  	_ =	swait.ge [sflag:s10], $0x2000  }
0x132: {  	[sflag:s10] =	ssyncset.done $0x0  }
0x133: {  	[sflag:s10] =	ssyncadd.s32 $0xFFFFE000  }
0x134: {  	_ =	sfence.sel $0x180000  }
0x135: {  	[bflag:$0x0] =	sbarrier.arrive $0xFFFF  }
0x136: {  	_ =	strace $0x9000004A  }
0x137: {  	s0 =	stileid.u32;
	[bflag:$0x2] =	sbarrier.arrive $0xFFFF  }
0x138: {  	p0 =	sne.s32 s0, $0x0;
	s0 =	rddreg [dreg:$0x3]  }
0x139: {  	s0 =	sadd.s32 @!p0 $0x100000, s0  }
0x13a: {  	[sflag:s0] =	ssyncadd.tile.s32 @!p0 $0x1;
	_ =	shalt  }
.Lfunc_end2:
_tile_overlayer_lowered:
.L_overlay_start_2:
0x13b: {  	(tag) =	ssettag $0x2  }
0x13c: {  	s0 =	rddreg [dreg:$0x0];
	s2 =	stileid.u32  }
0x13d: {  	s1 =	rddreg [dreg:$0x1];
	p0 =	sne.s32 s2, $0x0  }
0x13e: {  	s3 =	rddreg [dreg:$0x2];
	[bflag:$0x3] =	sbarrier.arrive $0xFFFF;
	s2 =	simm.s32 @!p0 $0x1C04  }
0x13f: {  	[timem:s3], [sflag:s2] =	dma.local @!p0 [hbm:s0], s1  }
0x140: {  	s0 =	simm.s32 @!p0 $0x4  }
0x141: {  	_ =	swait.ge @!p0 [sflag:s0], s1  }
0x142: {  	s1 =	ssub.s32 @!p0 $0x0, s1;
	[sflag:s0] =	ssyncset.done @!p0 $0x0  }
0x143: {  	[sflag:s0] =	ssyncadd.s32 @!p0 s1  }
0x144: {  	[bflag:$0x3] =	sbarrier.arrive $0xFFFF  }
0x145: {  	_ =	shalt  }

// kernel: sparse-core-data-format-call.cloned.1.call-start
scs
called_computation_lowered:
.L_overlay_start_0:
0x0: {  	s2 =	sld [smem:$0x3FD9]  }
0x1: {  	s3 =	sld [smem:$0x3FFE];
	_ =	sdelay $0x1  }
0x2: {  	s1 =	srdreg.scid  }
0x3: {  	s0 =	sand.u32 $0x1, s1  }
0x4: {  	s18 =	sshll.u32 s0, $0xA;
	s2 =	sadd.s32 s3, s2  }
0x5: {  	s2 =	sadd.s32 s2, s18  }
0x6: {  	[smem:$0x3FC6] =	sst s2  }
0x7: {  	_ = 	snop  }
0x8: {  	s2 =	sld [smem:$0x3FC8];
	(tm) =	ssettm $0x1  }
0x9: {  	s19 =	sld [smem:$0x3FFB];
	_ =	sdelay $0x3  }
0xa: {  	_ =	strace s19  }
0xb: {  	s3 =	sld [smem:$0x3FFC];
	_ =	sdelay $0x3  }
0xc: {  	_ =	strace s3  }
0xd: {  	s3 =	sld [smem:$0x3FFD];
	_ =	sdelay $0x3  }
0xe: {  	_ =	strace s3  }
0xf: {  	_ =	strace $0x8FFFFFFF  }
0x10: {  	s20 =	sld [smem:$0x3FDB];
	_ =	sdelay $0x1  }
0x11: {  	s4 =	simm.s32 $_scs_section_size  }
0x12: {  	s5 =	simm.s32 $_size__tile_overlayer_lowered;
	s6 =	simm.s32 $_tile_overlayer_lowered  }
0x13: {  	s23 =	simm.s32 $0x1BFF;
	s22 =	sshll.u32 s6, $0x1;
	s3 =	sadd.s32 s4, s20  }
0x14: {  	s7 =	simm.s32 $0x0;
	s21 =	sshll.u32 s5, $0x1;
	s5 =	sadd.s32 s22, s3  }
0x15: {  	[timem:s7], [sflag:s23] =	dma.local [hbm:s5], s21  }
0x16: {  	_ =	swait.ge [sflag:s23], s21  }
0x17: {  	s4 =	ssub.s32 $0x0, s21;
	[sflag:s23] =	ssyncset.done $0x0  }
0x18: {  	[sflag:s23] =	ssyncadd.s32 s4;
	_ =	sdelay $0x1  }
0x19: {  	s24 =	simm.s32 $0x1B8B  }
0x1a: {  	_ =	swait.ge [sflag:s24], $0x1  }
0x1b: {  	[sflag:s24] =	ssyncset.done $0x0  }
0x1c: {  	s26 =	simm.s32 $0x1B8E;
	s25 =	sld [smem:$0x3FFE];
	[sflag:s24] =	ssyncadd.s32 $0xFFFFFFFF  }
0x1d: {  	s27 =	simm.s32 $execute0_lowered;
	[smem:$0x3FD2] =	sst s26  }
0x1e: {  	s5 =	sshll.u32 s27, $0x1;
	_ =	strace $0x80000046;
	[dreg:$0x1] =	wrdreg $0xFFFFFFFF  }
0x1f: {  	s28 =	simm.s32 $_size_execute0_lowered;
	s3 =	sadd.s32 s3, s5;
	[dreg:$0x0] =	wrdreg $0x0  }
0x20: {  	s5 =	sshll.u32 s28, $0x1;
	[dreg:$0x2] =	wrdreg s3  }
0x21: {  	[dreg:$0x3] =	wrdreg s5  }
0x22: {  	[dreg:$0x4] =	wrdreg $0xC0  }
0x23: {  	_ =	task [dreg:s7], $0x5FFFF  }
0x24: {  	[dreg:$0x1] =	wrdreg $0xFFFFFFFF  }
0x25: {  	[dreg:$0x0] =	wrdreg $0x60  }
0x26: {  	[dreg:$0x2] =	wrdreg s2  }
0x27: {  	[dreg:$0x3] =	wrdreg s25  }
0x28: {  	[dreg:$0x4] =	wrdreg $0x9  }
0x29: {  	_ =	task.clear_ibuf [dreg:s7], $0x5FFFF;
	_ =	strace $0x90000046  }
0x2a: {  	s29 =	simm.s32 $0x9;
	_ =	strace $0x80000048  }
0x2b: {  	_ =	swait.ge [sflag:s29], $0x1  }
0x2c: {  	[sflag:s29] =	ssyncadd.s32 $0xFFFFFFFF  }
0x2d: {  	_ =	strace $0x90000048  }
0x2e: {  	_ =	sfence  }
0x2f: {  	s30 =	sld [smem:$0x0];
	_ =	sdelay $0x2  }
0x30: {  	s31 =	sshll.u32 s1, $0xD;
	s1 =	sshrl.u32 s1, $0x2  }
0x31: {  	s3 =	sand.u32 $0x4000, s31;
	s1 =	sadd.s32 s1, s30  }
0x32: {  	s0 =	sor.u32 s3, s0;
	s1 =	sshll.u32 s1, $0x11  }
0x33: {  	s0 =	sor.u32 s1, s0  }
0x34: {  	s0 =	sadd.s32 $0x8F2B, s0  }
0x35: {  	[sflag:s0] =	ssyncadd.remote.s32 $0x1  }
0x36: {  	_ =	sfence.sel $0xFFFF  }
0x37: {  	[dreg:$0x0] =	wrdreg $0xFFFFFFFF;
	(pc) =	sbr.abs _section_cstart, $3  }
0x38: {  	[dreg:$0x1] =	wrdreg $0xFFFFFFFF  }
0x39: {  	_ =	task.clear_ibuf [dreg:s7], $0x2FFFF;
	_ =	strace $0x9FFFFFFF  }
0x3a: {  	(tm) =	ssettm $0x7FFFFFFF  }
0x3b: {  	_ =	shalt  }
tec
execute0_lowered:
.L_overlay_start_1:
0x0: {  	(tag) =	ssettag $0x1  }
0x1: {  	s0 =	srdreg.scid;
	s2 =	rddreg [dreg:$0x0]  }
0x2: {  	s5 =	rddreg [dreg:$0x1];
	s1 =	stileid.u32  }
0x3: {  	s4 =	simm.s32 $0x1;
	s6 =	simm.s32 $0x2;
	s15 =	simm.s32 $0x0  }
0x4: {  	p0 =	por $0x0, $0x0;
	s8 =	simm.s32 $0x80;
	s0 =	sshll.u32 s0, $0x4  }
0x5: {  	s14 =	simm.s32 $0x0;
	s9 =	simm.s32 $0x0;
	s3 =	sand.u32 $0x10, s0  }
.Ltmp0:
0x6: {  	s10 =	simm.s32 $0x0;
	s3 =	sor.u32 s1, s3;
	(pc) =	sbr.rel .LBB1_1-.Ltmp0, $4  }
0x7: {  	s0 =	rddreg [dreg:$0x2];
	_ =	strace $0x80000047;
	s3 =	sshll.u32 s3, $0x7  }
0x8: {  	s12 =	simm.s32 $0x0;
	[sflag:s4] =	ssyncpa.u1 $0x0;
	s7 =	ssub.s32 $0xF4200, s3  }
0x9: {  	s13 =	simm.s32 $0x0;
	[sflag:s6] =	ssyncpa.u1 $0x0;
	s6 =	sshrl.u32 s7, $0xC  }
0xa: {  	s5 =	sadd.s32 $0xA00, s5;
	s11 =	smov.u32 s3;
	s7 =	sadd.s32 $0x2, s6  }
.LBB1_5:
0xb: {  	p1 =	slt.u32 s13, $0x2  }
0xc: {  	s17 =	smov.u32 s15;
	p2 =	sgt.s32 @!p1 s15, $0xF41C0;
	s16 =	sshra.s32 @!p1 s15, $0x1F  }
0xd: {  	p3 =	sgt.s32 @!p1 s14, $0x40;
	s18 =	sshra.s32 @!p1 s14, $0x1F;
	p2 =	por !p2, p1  }
0xe: {  	s15 =	sand.u32 @!p1 s16, s15;
	p3 =	por !p3, p1;
	s16 =	smov.u32 s14  }
0xf: {  	s14 =	sand.u32 @!p1 s18, s14;
	s17 =	simm.s32 @p2 $0xF41C0;
	s16 =	simm.s32 @p3 $0x40  }
0x10: {  	s15 =	ssub.s32 @!p1 s17, s15;
	s14 =	ssub.s32 @!p1 s16, s14  }
0x11: {  	s18 =	smov.u32 s12;
	s16 =	sadd.s32 @!p1 $0xFFF0BE40, s15;
	s17 =	sadd.s32 @!p1 $0xFFFFFFC0, s14  }
0x12: {  	s15 =	ssub.s32 @!p1 $0xF4240, s15;
	p2 =	sgt.s32 @!p1 s16, $0x7F;
	p3 =	sgt.s32 @!p1 s17, $0x3F  }
0x13: {  	s14 =	ssub.s32 @!p1 $0x80, s14;
	p2 =	por !p2, p1;
	p3 =	por !p3, p1  }
0x14: {  	s16 =	sadd.s32 $0x1000, s11;
	s15 =	simm.s32 @!p2 $0x0;
	s14 =	simm.s32 @!p3 $0x0  }
0x15: {  	p2 =	sgt.s32 s16, $0xF423F;
	s14 =	smul.u32 @!p1 s14, s15;
	s15 =	sadd.s32 $0x40, s12  }
0x16: {  	s18 =	smov.u32 @p2 s15  }
0x17: {  	s16 =	smov.u32 @p2 s3;
	p2 =	sgt.s32 s18, $0x3F  }
0x18: {  	s18 =	simm.s32 @p2 $0x0;
	p2 =	sne.s32 s13, s7  }
.Ltmp1:
0x19: {  	p0 =	por !p0, !p0;
	s17 =	simm.s32 @!p1 $0x2;
	(pc) =	sbr.rel @!p2 .LBB1_6-.Ltmp1, $4  }
0x1a: {  	s15 =	smov.u32 s9;
	s9 =	smov.u32 s11;
	s14 =	sand.u32 @!p1 $0x3FFFFFFF, s14  }
0x1b: {  	s11 =	smov.u32 s16;
	_ =	swait.ge @!p1 [sflag:s17], s14;
	s19 =	ssub.s32 @!p1 $0x0, s14  }
0x1c: {  	s14 =	smov.u32 s10;
	s13 =	sadd.s32 $0x1, s13;
	[sflag:s17] =	ssyncset.done @!p1 $0x0  }
0x1d: {  	s10 =	smov.u32 s12;
	s12 =	smov.u32 s18;
	[sflag:s17] =	ssyncadd.s32 @!p1 s19  }
.LBB1_1:
0x1e: {  	p1 =	sgt.u32 s13, s6  }
0x1f: {  	s16 =	sshrl.u32 @!p1 s12, $0x3  }
0x20: {  	s17 =	sshll.u32 @!p1 s11, $0x3;
	s16 =	smul.u32 @!p1 $0x7A1400, s16  }
0x21: {  	s18 =	sshll.u32 @!p1 s12, $0x7;
	s17 =	sand.u32 @!p1 $0xFFFFFC00, s17  }
0x22: {  	s16 =	sadd.s32 @!p1 s16, s17;
	s17 =	sand.u32 @!p1 $0x380, s18  }
0x23: {  	s18 =	sand.u32 @!p1 $0x7F, s11;
	s16 =	sor.u32 @!p1 s17, s16  }
0x24: {  	s17 =	sor.u32 @!p1 s18, s16  }
0x25: {  	s18 =	smulhi.u32 @!p1 $0x218D6287, s17;
	_ =	sdelay $0x1  }
0x26: {  	s16 =	smulhi.u32 @!p1 $0x218D6287, s16;
	s18 =	sshrl.u32 @!p1 s18, $0x11  }
0x27: {  	s18 =	smul.u32 @!p1 $0xF4280, s18  }
0x28: {  	s19 =	sxor.u32 @!p1 $0xFFFFFFFF, s13;
	s16 =	sshrl.u32 @!p1 s16, $0x11  }
0x29: {  	s19 =	sshll.u32 @!p1 s19, $0xD;
	s16 =	sand.u32 @!p1 $0x3F, s16;
	s17 =	ssub.s32 @!p1 s17, s18  }
0x2a: {  	s16 =	smul.u32 @!p1 $0x1E850, s16;
	s18 =	sshrl.u32 @!p1 s17, $0x3;
	s17 =	sand.u32 @!p1 $0x7, s17  }
0x2b: {  	s19 =	sand.u32 @!p1 $0x2000, s19;
	s18 =	sadd.s32 @!p1 s2, s18;
	s17 =	sshll.u32 @!p1 s17, $0x12  }
0x2c: {  	s16 =	sadd.s32 @!p1 s16, s18;
	s17 =	sor.u32 @!p1 $0x400, s17;
	s18 =	simm.s32 @!p1 $0x7A1400  }
0x2d: {  	[tilespmem:s19], [sflag:$0x1] =	stream.strided.gather @!p1 [hbm4b:s16+s17], $0x2000, s18, s17, $0x38;
	[tilespmem:$0x8100] =	vst v63  }
0x2e: {  	p1 =	seq.s32 s13, $0x0  }
0x2f: {  	p2 =	sge.u32 @!p1 s13, s7  }
0x30: {  	p1 =	por p1, p2  }
.Ltmp2:
0x31: {  	_ = 	snop;
	(pc) =	sbr.rel @p1 .LBB1_5-.Ltmp2, $1  }
0x32: {  	_ =	sdelay $0x3  }
0x33: {  	s16 =	simm.s32 $0x1  }
0x34: {  	_ =	swait.ge [sflag:s4], $0x2000;
	s16 =	simm.s32 @!p0 $0x0  }
0x35: {  	[sflag:s4] =	ssyncset.done $0x0;
	s17 =	sshll.u32 s16, $0xD  }
0x36: {  	[sflag:s4] =	ssyncadd.s32 $0xFFFFE000;
	s17 =	sor.u32 $0x40, s17  }
0x37: {  	s16 =	smul.u32 $0x8200, s16;
	v0 =	vld [tilespmem:s17+$0x30]  }
0x38: {  	v1 =	vld [tilespmem:s17+$0xFFFFFFD0]  }
0x39: {  	s16 =	sshrl.u32 s16, $0x2;
	v5 =	vld [tilespmem:s17+$0xFFFFFFE0]  }
0x3a: {  	v6 =	vld [tilespmem:s17+$0xFFFFFFF0];
	s19 =	sor.u32 $0x4000, s16  }
0x3b: {  	s31 =	sand.u32 $0x1, s13;
	v4 =	vld [tilespmem:s17+$0x0];
	s18 =	sadd.s32 $0x0, s19  }
0x3c: {  	v3 =	vld [tilespmem:s17+$0x10];
	s16 =	smul.u32 $0x8200, s31;
	[tilespmem:s18+$0x1C70 ss:$0x41] =	vst.msk $0xffff, v0  }
0x3d: {  	v2 =	vld [tilespmem:s17+$0x20];
	[tilespmem:s18+$0x410 ss:$0x41] =	vst.msk $0xffff, v1  }
0x3e: {  	s16 =	sshrl.u32 s16, $0x2;
	v1 =	vld [tilespmem:s17+$0xFFFFFFC0];
	[tilespmem:s18+$0x820 ss:$0x41] =	vst.msk $0xffff, v5;
	s17 =	sadd.s32 $0x80, s17  }
0x3f: {  	s20 =	simm.s32 $0x4;
	s21 =	simm.s32 $0x8;
	s16 =	sor.u32 $0x4000, s16;
	[tilespmem:s18+$0xC30 ss:$0x41] =	vst.msk $0xffff, v6;
	v0 =	vld [tilespmem:s17+$0x30]  }
.LBB1_3:
0x40: {  	p1 =	sne.s32 s21, $0xFC;
	v5 =	vld [tilespmem:s17+$0xFFFFFFD0];
	[tilespmem:s18+$0x1040 ss:$0x41] =	vst.msk $0xffff, v4  }
0x41: {  	v6 =	vld [tilespmem:s17+$0xFFFFFFE0];
	[tilespmem:s18+$0x1450 ss:$0x41] =	vst.msk $0xffff, v3  }
0x42: {  	s22 =	sshra.s32 s20, $0x2;
	s20 =	smov.u32 s21;
	v7 =	vld [tilespmem:s17+$0xFFFFFFF0];
	[tilespmem:s18+$0x1860 ss:$0x41] =	vst.msk $0xffff, v2  }
.Ltmp3:
0x43: {  	v4 =	vld [tilespmem:s17+$0x0];
	[tilespmem:s18+$0x0 ss:$0x41] =	vst.msk $0xffff, v1;
	s18 =	sadd.s32 s22, s19;
	(pc) =	sbr.rel @p1 .LBB1_3-.Ltmp3, $4  }
0x44: {  	v3 =	vld [tilespmem:s17+$0x10];
	[tilespmem:s18+$0x1C70 ss:$0x41] =	vst.msk $0xffff, v0  }
0x45: {  	[tilespmem:s18+$0x410 ss:$0x41] =	vst.msk $0xffff, v5;
	v2 =	vld [tilespmem:s17+$0x20]  }
0x46: {  	v1 =	vld [tilespmem:s17+$0xFFFFFFC0];
	[tilespmem:s18+$0x820 ss:$0x41] =	vst.msk $0xffff, v6;
	s17 =	sadd.s32 $0x80, s17  }
0x47: {  	s21 =	sadd.s32 $0x4, s21;
	v0 =	vld [tilespmem:s17+$0x30];
	[tilespmem:s18+$0xC30 ss:$0x41] =	vst.msk $0xffff, v7  }
0x48: {  	s21 =	sshll.u32 s9, $0x7;
	s22 =	sshll.u32 s10, $0x3;
	s20 =	sshra.s32 s20, $0x2  }
0x49: {  	p1 =	sgt.s32 s9, $0xF41C0;
	s30 =	sshra.s32 s9, $0x1F;
	s25 =	sshra.s32 s10, $0x1F  }
0x4a: {  	v5 =	vld [tilespmem:s17+$0xFFFFFFD0];
	s28 =	sshrl.u32 s10, $0x3;
	s23 =	sand.u32 $0xFFFFFC00, s21;
	s22 =	sand.u32 $0xFFFFFC00, s22  }
0x4b: {  	[tilespmem:s18+$0x1040 ss:$0x41] =	vst.msk $0xffff, v4;
	v58 =	vld [tilespmem:s17+$0xFFFFFFE0];
	s21 =	sand.u32 $0x380, s21;
	s19 =	sadd.s32 s20, s19;
	s22 =	sadd.s32 s22, s23  }
0x4c: {  	v59 =	vld [tilespmem:s17+$0xFFFFFFF0];
	[tilespmem:s18+$0x1450 ss:$0x41] =	vst.msk $0xffff, v3;
	s29 =	sor.u32 s21, s22;
	s21 =	smov.u32 s9;
	s22 =	sand.u32 s30, s9  }
0x4d: {  	v60 =	vld [tilespmem:s17+$0x0];
	[tilespmem:s18+$0x1860 ss:$0x41] =	vst.msk $0xffff, v2;
	s30 =	sand.u32 $0x7, s10;
	s20 =	sshrl.u32 s29, $0x7;
	s21 =	simm.s32 @!p1 $0xF41C0  }
0x4e: {  	v61 =	vld [tilespmem:s17+$0x10];
	[tilespmem:s18+$0x0 ss:$0x41] =	vst.msk $0xffff, v1;
	p1 =	sgt.s32 s10, $0x40;
	s24 =	ssub.s32 s21, s22;
	s21 =	smov.u32 s10  }
0x4f: {  	v62 =	vld [tilespmem:s17+$0x20];
	[tilespmem:s19+$0x1C70 ss:$0x41] =	vst.msk $0xffff, v0;
	s31 =	smulhi.u32 $0x218DEF5, s20;
	s22 =	sand.u32 s25, s10;
	s21 =	simm.s32 @!p1 $0x40  }
0x50: {  	v63 =	vld [tilespmem:s17+$0xFFFFFFC0];
	[tilespmem:s19+$0x410 ss:$0x41] =	vst.msk $0xffff, v5;
	s26 =	sadd.s32 $0xFFF0BE40, s24;
	s17 =	ssub.s32 $0xF4240, s24;
	s21 =	ssub.s32 s21, s22  }
0x51: {  	[tilespmem:s19+$0x820 ss:$0x41] =	vst.msk $0xffff, v58;
	s23 =	sshrl.u32 s31, $0xD;
	p1 =	sgt.s32 s26, $0x7F;
	s27 =	sadd.s32 $0xFFFFFFC0, s21  }
0x52: {  	[tilespmem:s19+$0xC30 ss:$0x41] =	vst.msk $0xffff, v59;
	s23 =	smul.u32 $0xF4240, s23;
	s18 =	ssub.s32 $0x80, s21;
	p2 =	sgt.s32 s27, $0x3F  }
.Ltmp4:
0x53: {  	[tilespmem:s19+$0x1040 ss:$0x41] =	vst.msk $0xffff, v60;
	s17 =	simm.s32 @p1 $0x0;
	s18 =	simm.s32 @p2 $0x0;
	(pc) =	sbr.rel .LBB1_5-.Ltmp4, $4  }
0x54: {  	s29 =	sand.u32 $0xF, s28;
	[tilespmem:s19+$0x1450 ss:$0x41] =	vst.msk $0xffff, v61;
	s20 =	ssub.s32 s20, s23;
	s17 =	smul.u32 s18, s17  }
0x55: {  	[tilespmem:s19+$0x1860 ss:$0x41] =	vst.msk $0xffff, v62;
	s21 =	sshll.u32 s30, $0x12;
	s20 =	sshll.u32 s20, $0x4;
	s18 =	sadd.s32 s5, s29  }
0x56: {  	[tilespmem:s19+$0x0 ss:$0x41] =	vst.msk $0xffff, v63;
	s31 =	sor.u32 $0x40, s21;
	s18 =	sadd.s32 s20, s18;
	s17 =	sand.u32 $0x3FFFFFFF, s17  }
0x57: {  	[hbm4b:s18+s31] =	stream.strided.scatter [tilespmem:s16], [sflag:$0x2], s17, s8, s31, $0x18;
	[tilespmem:$0x8100] =	vst v63  }
.LBB1_6:
0x58: {  	_ =	sfence.sel $0x180000  }
0x59: {  	s2 =	simm.s32 $0x1;
	[bflag:$0x0] =	sbarrier.arrive $0xFFFF  }
0x5a: {  	s31 =	simm.s32 $0x2;
	[sflag:s2] =	ssyncpa.u1 $0x1  }
0x5b: {  	[sflag:s31] =	ssyncpa.u1 $0x1  }
0x5c: {  	p0 =	sne.s32 s1, $0x0;
	_ =	strace $0x90000047  }
0x5d: {  	s0 =	sadd.s32 @!p0 $0x100000, s0;
	[bflag:$0x2] =	sbarrier.arrive $0xFFFF  }
0x5e: {  	[sflag:s0] =	ssyncadd.tile.s32 @!p0 $0x1;
	_ =	shalt  }
.Lfunc_end1:
_tile_overlayer_lowered:
.L_overlay_start_2:
0x5f: {  	(tag) =	ssettag $0x2  }
0x60: {  	s0 =	rddreg [dreg:$0x0];
	s2 =	stileid.u32  }
0x61: {  	s1 =	rddreg [dreg:$0x1];
	p0 =	sne.s32 s2, $0x0  }
0x62: {  	s3 =	rddreg [dreg:$0x2];
	[bflag:$0x3] =	sbarrier.arrive $0xFFFF;
	s2 =	simm.s32 @!p0 $0x1C01  }
0x63: {  	[timem:s3], [sflag:s2] =	dma.local @!p0 [hbm:s0], s1  }
0x64: {  	s0 =	simm.s32 @!p0 $0x1  }
0x65: {  	_ =	swait.ge @!p0 [sflag:s0], s1  }
0x66: {  	s1 =	ssub.s32 @!p0 $0x0, s1;
	[sflag:s0] =	ssyncset.done @!p0 $0x0  }
0x67: {  	[sflag:s0] =	ssyncadd.s32 @!p0 s1  }
0x68: {  	[bflag:$0x3] =	sbarrier.arrive $0xFFFF  }
0x69: {  	_ =	shalt  }

</sc_bundles>
